<compile_context>
chip_gen: v7x
topology: tpu7x:2x2x1
jax: 0.10.2.dev20260603
libtpu: 0.0.44.dev20260713+nightly
codegen_flags: <defaults>
</compile_context>

<pallas_src>
import functools

import jax
import jax.numpy as jnp
from jax import lax
from jax.experimental import pallas as pl
from jax.experimental.pallas import tpu as pltpu
from jax.experimental.pallas import tpu_sc as plsc

V = 100000
D = 16
B = 1024
BLK = 4096
GRID = (V + BLK - 1) // BLK

_NEG_INF = float("-inf")


@functools.lru_cache(maxsize=1)
def _make_sc_gather():
    info = plsc.get_sparse_core_info()
    nc, ns = info.num_cores, info.num_subcores
    nw = nc * ns
    bw = B // nw
    mesh = plsc.VectorSubcoreMesh(core_axis_name="c", subcore_axis_name="s")

    @functools.partial(
        pl.kernel, mesh=mesh,
        compiler_params=pltpu.CompilerParams(use_tc_tiling_on_sc=True,
                                             needs_layout_passes=False),
        out_type=(jax.ShapeDtypeStruct((B * D,), jnp.float32),
                  jax.ShapeDtypeStruct((B * D,), jnp.float32)),
        scratch_types=[
            pltpu.VMEM((bw,), jnp.int32),
            pltpu.VMEM((bw,), jnp.int32),
            pltpu.VMEM((bw, 128), jnp.float32),
            pltpu.VMEM((bw * D,), jnp.float32),
            pltpu.VMEM((bw,), jnp.int32),
            pltpu.VMEM((bw,), jnp.int32),
            pltpu.VMEM((bw, 128), jnp.float32),
            pltpu.VMEM((bw * D,), jnp.float32),
            pltpu.SemaphoreType.DMA,
        ],
    )
    def gather(phi_hbm, center_hbm, phi_out_hbm, context_hbm,
               h_out, po_out,
               idx_c, sup_c, rows_c, ext_c,
               idx_x, sup_x, rows_x, ext_x, sem):
        wid = lax.axis_index("s") * nc + lax.axis_index("c")
        base = wid * bw
        pltpu.sync_copy(center_hbm.at[pl.ds(base, bw)], idx_c)
        pltpu.sync_copy(context_hbm.at[pl.ds(base, bw)], idx_x)
        for k in range(bw // 16):
            sl = pl.ds(k * 16, 16)
            sup_c[sl] = lax.shift_right_logical(idx_c[sl], 3)
            sup_x[sl] = lax.shift_right_logical(idx_x[sl], 3)
        cp1 = pltpu.async_copy(phi_hbm.at[sup_c], rows_c, sem)
        cp2 = pltpu.async_copy(phi_out_hbm.at[sup_x], rows_x, sem)
        cp1.wait()
        cp2.wait()
        iota16 = lax.iota(jnp.int32, 16)
        for k in range(bw // 16):
            rowv = k * 16 + iota16
            for idx_ref, rows_ref, ext_ref in ((idx_c, rows_c, ext_c),
                                               (idx_x, rows_x, ext_x)):
                off = (idx_ref[pl.ds(k * 16, 16)] & 7) * 16
                posv = rowv * D
                for d in range(D):
                    vals = plsc.load_gather(rows_ref, [rowv, off + d])
                    plsc.store_scatter(ext_ref, [posv + d], vals)
        pltpu.sync_copy(ext_c, h_out.at[pl.ds(base * D, bw * D)])
        pltpu.sync_copy(ext_x, po_out.at[pl.ds(base * D, bw * D)])

    return gather


def _tc_body(h_ref, po_ref, posel_ref, out_ref, s_ref):
    j = pl.program_id(0)

    @pl.when(j == 0)
    def _init():
        s_ref[...] = jnp.zeros((B, 128), jnp.float32)

    col = lax.broadcasted_iota(jnp.int32, (D, BLK), 1)
    po = jnp.where(col < V - j * BLK, po_ref[...], 0.0).astype(jnp.bfloat16)
    h2 = (h_ref[...] * jnp.float32(1.4426950408889634)).astype(jnp.bfloat16)
    scores = lax.dot_general(h2, po, (((1,), (0,)), ((), ())),
                             preferred_element_type=jnp.float32)
    e = jnp.exp2(scores)
    part = e[:, 0:128]
    for k in range(1, BLK // 128):
        part = part + e[:, k * 128:(k + 1) * 128]
    s_ref[...] += part

    @pl.when(j == GRID - 1)
    def _fin():
        sel = jnp.sum(h_ref[...] * posel_ref[...], axis=1, keepdims=True)
        s_tot = (jnp.sum(s_ref[...], axis=1, keepdims=True)
                 - jnp.float32(GRID * BLK - V))
        out_ref[...] = jnp.exp(sel) / s_tot


def _softmax_prob(h, po_sel, phi_out_t):
    out = pl.pallas_call(
        _tc_body,
        grid=(GRID,),
        in_specs=[
            pl.BlockSpec((B, D), lambda j: (0, 0)),
            pl.BlockSpec((D, BLK), lambda j: (0, j)),
            pl.BlockSpec((B, D), lambda j: (0, 0)),
        ],
        out_specs=pl.BlockSpec((B, 1), lambda j: (0, 0)),
        out_shape=jax.ShapeDtypeStruct((B, 1), jnp.float32),
        scratch_shapes=[
            pltpu.VMEM((B, 128), jnp.float32),
        ],
    )(h, phi_out_t, po_sel)
    return out[:, 0]


def kernel(center, context, phi, phi_out):
    g = _make_sc_gather()
    h, po_sel = g(phi.reshape(V // 8, 8 * D), center.astype(jnp.int32),
                  phi_out.reshape(V // 8, 8 * D), context.astype(jnp.int32))
    return _softmax_prob(h.reshape(B, D), po_sel.reshape(B, D), phi_out.T)

# --- scband reference (transcript-rebuilt; emitter-appended) ---
"""Pipeline reference for scband-deep-walk-34462817583811 (READ-ONLY COPY).

The authoritative reference and input builder live on the scoring server;
editing this copy changes nothing except your own understanding.
"""

import jax, jax.numpy as jnp
import numpy as np

NUM_NODES = 100000
EMBED_DIM = 16
BATCH = 1024

def setup_inputs(seed: int = 0) -> dict:
    key = jax.random.key(seed)
    k1, k2, k3, k4 = jax.random.split(key, 4)
    center = jax.random.randint(k1, (BATCH,), 0, NUM_NODES, dtype=jnp.int64 if jax.config.jax_enable_x64 else jnp.int32)
    context = jax.random.randint(k2, (BATCH,), 0, NUM_NODES, dtype=jnp.int64 if jax.config.jax_enable_x64 else jnp.int32)
    phi = jax.random.normal(k3, (NUM_NODES, EMBED_DIM), dtype=jnp.float32) * 0.1
    phi_out = jax.random.normal(k4, (NUM_NODES, EMBED_DIM), dtype=jnp.float32) * 0.1
    return {"center": center, "context": context, "phi": phi, "phi_out": phi_out}

def reference(center, context, phi, phi_out):
    # SimpleSkipGram: prob that `context` co-occurs with `center` under a full
    # softmax over all graph nodes. phi is the input (node) embedding table,
    # phi_out the output (context) table. This is the inner op called per
    # (walk[j], walk[k]) pair in DeepWalk.train, batched over 1024 pairs.
    h = jnp.take(phi, center, axis=0)                 # [B, d] gather
    scores = h @ phi_out.T                            # [B, V] logits over all nodes
    log_probs = jax.nn.log_softmax(scores, axis=-1)   # full softmax over vocab
    sel = jnp.take_along_axis(log_probs, context[:, None], axis=1)[:, 0]
    prob = jnp.exp(sel)                               # [B]
    return prob

if __name__ == "__main__":
    import jax
    _d = setup_inputs()
    print(jax.jit(kernel)(*tuple(_d.values())))

</pallas_src>

<mosaic_0001>
#map = affine_map<(d0, d1) -> (0, 0)>
#map1 = affine_map<(d0, d1) -> (0)>
module attributes {stable_mosaic.version = 14 : i64} {
  func.func @gather(%arg0: i32, %arg1: i32, %arg2: memref<12500x128xf32, #tpu.memory_space<hbm>>, %arg3: memref<1024xi32, #tpu.memory_space<hbm>>, %arg4: memref<12500x128xf32, #tpu.memory_space<hbm>>, %arg5: memref<1024xi32, #tpu.memory_space<hbm>>, %arg6: memref<16384xf32, #tpu.memory_space<hbm>>, %arg7: memref<16384xf32, #tpu.memory_space<hbm>>, %arg8: memref<32xi32, #tpu.memory_space<vmem>>, %arg9: memref<32xi32, #tpu.memory_space<vmem>>, %arg10: memref<32x128xf32, #tpu.memory_space<vmem>>, %arg11: memref<512xf32, #tpu.memory_space<vmem>>, %arg12: memref<32xi32, #tpu.memory_space<vmem>>, %arg13: memref<32xi32, #tpu.memory_space<vmem>>, %arg14: memref<32x128xf32, #tpu.memory_space<vmem>>, %arg15: memref<512xf32, #tpu.memory_space<vmem>>, %arg16: memref<!tpu.dma_semaphore, #tpu.memory_space<semaphore_mem>>) attributes {dimension_semantics = [#tpu.dimension_semantics<core_parallel>, #tpu.dimension_semantics<subcore_parallel>], iteration_bounds = array<i64: 2, 16>, scalar_prefetch = 0 : i64, scratch_operands = 9 : i64, tpu.core_type = #tpu.core_type<sc_vector_subcore>, window_params = [{transform_indices = #map}, {transform_indices = #map1}, {transform_indices = #map}, {transform_indices = #map1}, {transform_indices = #map1}, {transform_indices = #map1}]} {
    %mul3A = arith.constant 2 : i32
    %mul3A_0 = arith.muli %arg1, %mul3A : i32
    %add3A = arith.addi %mul3A_0, %arg0 : i32
    %mul3A_1 = arith.constant 32 : i32
    %mul3A_2 = arith.muli %add3A, %mul3A_1 : i32
    "tpu.region"() ({
      %run_scoped3A = tpu.sem_alloc : memref<!tpu.dma_semaphore, #tpu.memory_space<semaphore_mem>>
      %dma_start3A_538 = tpu.memref_slice %arg3[%mul3A_2] : memref<1024xi32, #tpu.memory_space<hbm>> -> memref<32xi32, #tpu.memory_space<hbm>>
      %dma_start3A_539 = tpu.memref_slice %arg3[%mul3A_2] : memref<1024xi32, #tpu.memory_space<hbm>> -> memref<32xi32, #tpu.memory_space<hbm>>
      tpu.enqueue_dma source(%dma_start3A_539 : memref<32xi32, #tpu.memory_space<hbm>>) target(%arg8 : memref<32xi32, #tpu.memory_space<vmem>>) target_semaphore(%run_scoped3A : memref<!tpu.dma_semaphore, #tpu.memory_space<semaphore_mem>>)
      %dma_wait3A_540 = tpu.memref_slice %arg3[%mul3A_2] : memref<1024xi32, #tpu.memory_space<hbm>> -> memref<32xi32, #tpu.memory_space<hbm>>
      %dma_wait3A_541 = tpu.memref_slice %arg3[%mul3A_2] : memref<1024xi32, #tpu.memory_space<hbm>> -> memref<32xi32, #tpu.memory_space<hbm>>
      tpu.wait_dma2 semaphore(%run_scoped3A : memref<!tpu.dma_semaphore, #tpu.memory_space<semaphore_mem>>) src(%dma_wait3A_541 : memref<32xi32, #tpu.memory_space<hbm>>) dst(%arg8 : memref<32xi32, #tpu.memory_space<vmem>>)
      tpu.yield
    }) : () -> ()
    "tpu.region"() ({
      %run_scoped3A = tpu.sem_alloc : memref<!tpu.dma_semaphore, #tpu.memory_space<semaphore_mem>>
      %dma_start3A_538 = tpu.memref_slice %arg5[%mul3A_2] : memref<1024xi32, #tpu.memory_space<hbm>> -> memref<32xi32, #tpu.memory_space<hbm>>
      %dma_start3A_539 = tpu.memref_slice %arg5[%mul3A_2] : memref<1024xi32, #tpu.memory_space<hbm>> -> memref<32xi32, #tpu.memory_space<hbm>>
      tpu.enqueue_dma source(%dma_start3A_539 : memref<32xi32, #tpu.memory_space<hbm>>) target(%arg12 : memref<32xi32, #tpu.memory_space<vmem>>) target_semaphore(%run_scoped3A : memref<!tpu.dma_semaphore, #tpu.memory_space<semaphore_mem>>)
      %dma_wait3A_540 = tpu.memref_slice %arg5[%mul3A_2] : memref<1024xi32, #tpu.memory_space<hbm>> -> memref<32xi32, #tpu.memory_space<hbm>>
      %dma_wait3A_541 = tpu.memref_slice %arg5[%mul3A_2] : memref<1024xi32, #tpu.memory_space<hbm>> -> memref<32xi32, #tpu.memory_space<hbm>>
      tpu.wait_dma2 semaphore(%run_scoped3A : memref<!tpu.dma_semaphore, #tpu.memory_space<semaphore_mem>>) src(%dma_wait3A_541 : memref<32xi32, #tpu.memory_space<hbm>>) dst(%arg12 : memref<32xi32, #tpu.memory_space<vmem>>)
      tpu.yield
    }) : () -> ()
    %get3A = arith.constant 0 : index
    %get3A_3 = tpu.vector_load %arg8[%get3A] {strides = array<i32>} : memref<32xi32, #tpu.memory_space<vmem>>, vector<16xi32>,
    %shift_right_logical3A = arith.constant 3 : i32
    %shift_right_logical3A_4 = vector.broadcast %shift_right_logical3A : i32 to vector<16xi32>
    %shift_right_logical3A_5 = arith.shrui %get3A_3, %shift_right_logical3A_4 : vector<16xi32>
    %swap3A = arith.constant 0 : index
    %swap3A_6 = tpu.vector_load %arg9[%swap3A] {strides = array<i32>} : memref<32xi32, #tpu.memory_space<vmem>>, vector<16xi32>,
    tpu.vector_store %arg9[%swap3A], %shift_right_logical3A_5 {strides = array<i32>} : memref<32xi32, #tpu.memory_space<vmem>>, vector<16xi32>,
    %get3A_7 = arith.constant 0 : index
    %get3A_8 = tpu.vector_load %arg12[%get3A_7] {strides = array<i32>} : memref<32xi32, #tpu.memory_space<vmem>>, vector<16xi32>,
    %shift_right_logical3A_9 = arith.constant 3 : i32
    %shift_right_logical3A_10 = vector.broadcast %shift_right_logical3A_9 : i32 to vector<16xi32>
    %shift_right_logical3A_11 = arith.shrui %get3A_8, %shift_right_logical3A_10 : vector<16xi32>
    %swap3A_12 = arith.constant 0 : index
    %swap3A_13 = tpu.vector_load %arg13[%swap3A_12] {strides = array<i32>} : memref<32xi32, #tpu.memory_space<vmem>>, vector<16xi32>,
    tpu.vector_store %arg13[%swap3A_12], %shift_right_logical3A_11 {strides = array<i32>} : memref<32xi32, #tpu.memory_space<vmem>>, vector<16xi32>,
    %get3A_14 = arith.constant 16 : index
    %get3A_15 = tpu.vector_load %arg8[%get3A_14] {strides = array<i32>} : memref<32xi32, #tpu.memory_space<vmem>>, vector<16xi32>,
    %shift_right_logical3A_16 = arith.constant 3 : i32
    %shift_right_logical3A_17 = vector.broadcast %shift_right_logical3A_16 : i32 to vector<16xi32>
    %shift_right_logical3A_18 = arith.shrui %get3A_15, %shift_right_logical3A_17 : vector<16xi32>
    %swap3A_19 = arith.constant 16 : index
    %swap3A_20 = tpu.vector_load %arg9[%swap3A_19] {strides = array<i32>} : memref<32xi32, #tpu.memory_space<vmem>>, vector<16xi32>,
    tpu.vector_store %arg9[%swap3A_19], %shift_right_logical3A_18 {strides = array<i32>} : memref<32xi32, #tpu.memory_space<vmem>>, vector<16xi32>,
    %get3A_21 = arith.constant 16 : index
    %get3A_22 = tpu.vector_load %arg12[%get3A_21] {strides = array<i32>} : memref<32xi32, #tpu.memory_space<vmem>>, vector<16xi32>,
    %shift_right_logical3A_23 = arith.constant 3 : i32
    %shift_right_logical3A_24 = vector.broadcast %shift_right_logical3A_23 : i32 to vector<16xi32>
    %shift_right_logical3A_25 = arith.shrui %get3A_22, %shift_right_logical3A_24 : vector<16xi32>
    %swap3A_26 = arith.constant 16 : index
    %swap3A_27 = tpu.vector_load %arg13[%swap3A_26] {strides = array<i32>} : memref<32xi32, #tpu.memory_space<vmem>>, vector<16xi32>,
    tpu.vector_store %arg13[%swap3A_26], %shift_right_logical3A_25 {strides = array<i32>} : memref<32xi32, #tpu.memory_space<vmem>>, vector<16xi32>,
    %dma_start3A = arith.constant 0 : i32
    %dma_start3A_28 = arith.constant 0 : i32
    %dma_start3A_29 = tpu.memref_slice %arg2[%dma_start3A, %dma_start3A_28] : memref<12500x128xf32, #tpu.memory_space<hbm>> -> memref<12500x128xf32, #tpu.memory_space<hbm>>
    tpu.enqueue_indirect_dma source(%dma_start3A_29 : memref<12500x128xf32, #tpu.memory_space<hbm>>) target(%arg10 : memref<32x128xf32, #tpu.memory_space<vmem>>) offsets(%arg9 : memref<32xi32, #tpu.memory_space<vmem>>) semaphore(%arg16 : memref<!tpu.dma_semaphore, #tpu.memory_space<semaphore_mem>>)
    %dma_start3A_30 = arith.constant 0 : i32
    %dma_start3A_31 = arith.constant 0 : i32
    %dma_start3A_32 = tpu.memref_slice %arg4[%dma_start3A_30, %dma_start3A_31] : memref<12500x128xf32, #tpu.memory_space<hbm>> -> memref<12500x128xf32, #tpu.memory_space<hbm>>
    tpu.enqueue_indirect_dma source(%dma_start3A_32 : memref<12500x128xf32, #tpu.memory_space<hbm>>) target(%arg14 : memref<32x128xf32, #tpu.memory_space<vmem>>) offsets(%arg13 : memref<32xi32, #tpu.memory_space<vmem>>) semaphore(%arg16 : memref<!tpu.dma_semaphore, #tpu.memory_space<semaphore_mem>>)
    %dma_wait3A = arith.constant 0 : i32
    %dma_wait3A_33 = arith.constant 0 : i32
    %dma_wait3A_34 = tpu.memref_slice %arg2[%dma_wait3A, %dma_wait3A_33] : memref<12500x128xf32, #tpu.memory_space<hbm>> -> memref<12500x128xf32, #tpu.memory_space<hbm>>
    tpu.wait_indirect_dma semaphore(%arg16 : memref<!tpu.dma_semaphore, #tpu.memory_space<semaphore_mem>>) src(%dma_wait3A_34 : memref<12500x128xf32, #tpu.memory_space<hbm>>) dst(%arg10 : memref<32x128xf32, #tpu.memory_space<vmem>>)
    %dma_wait3A_35 = arith.constant 0 : i32
    %dma_wait3A_36 = arith.constant 0 : i32
    %dma_wait3A_37 = tpu.memref_slice %arg4[%dma_wait3A_35, %dma_wait3A_36] : memref<12500x128xf32, #tpu.memory_space<hbm>> -> memref<12500x128xf32, #tpu.memory_space<hbm>>
    tpu.wait_indirect_dma semaphore(%arg16 : memref<!tpu.dma_semaphore, #tpu.memory_space<semaphore_mem>>) src(%dma_wait3A_37 : memref<12500x128xf32, #tpu.memory_space<hbm>>) dst(%arg14 : memref<32x128xf32, #tpu.memory_space<vmem>>)
    %iota3A = tpu.iota {dimensions = array<i32: 0>} : vector<16xi32>
    %add3A_38 = arith.constant 0 : i32
    %add3A_39 = vector.broadcast %add3A_38 : i32 to vector<16xi32>
    %add3A_40 = arith.addi %add3A_39, %iota3A : vector<16xi32>
    %get3A_41 = arith.constant 0 : index
    %get3A_42 = tpu.vector_load %arg8[%get3A_41] {strides = array<i32>} : memref<32xi32, #tpu.memory_space<vmem>>, vector<16xi32>,
    %and3A = arith.constant 7 : i32
    %and3A_43 = vector.broadcast %and3A : i32 to vector<16xi32>
    %and3A_44 = arith.andi %get3A_42, %and3A_43 : vector<16xi32>
    %mul3A_45 = arith.constant 16 : i32
    %mul3A_46 = vector.broadcast %mul3A_45 : i32 to vector<16xi32>
    %mul3A_47 = arith.muli %and3A_44, %mul3A_46 : vector<16xi32>
    %mul3A_48 = arith.constant 16 : i32
    %mul3A_49 = vector.broadcast %mul3A_48 : i32 to vector<16xi32>
    %mul3A_50 = arith.muli %add3A_40, %mul3A_49 : vector<16xi32>
    %add3A_51 = arith.constant 0 : i32
    %add3A_52 = vector.broadcast %add3A_51 : i32 to vector<16xi32>
    %add3A_53 = arith.addi %mul3A_47, %add3A_52 : vector<16xi32>
    %gather3A = tpu.vector_load_idx %arg10[%add3A_40, %add3A_53] : memref<32x128xf32, #tpu.memory_space<vmem>>[vector<16xi32>, vector<16xi32>], vector<16xf32>,
    %add3A_54 = arith.constant 0 : i32
    %add3A_55 = vector.broadcast %add3A_54 : i32 to vector<16xi32>
    %add3A_56 = arith.addi %mul3A_50, %add3A_55 : vector<16xi32>
    tpu.vector_store_idx %arg11[%add3A_56], %gather3A : memref<512xf32, #tpu.memory_space<vmem>>[vector<16xi32>], vector<16xf32>,
    %add3A_57 = arith.constant 1 : i32
    %add3A_58 = vector.broadcast %add3A_57 : i32 to vector<16xi32>
    %add3A_59 = arith.addi %mul3A_47, %add3A_58 : vector<16xi32>
    %gather3A_60 = tpu.vector_load_idx %arg10[%add3A_40, %add3A_59] : memref<32x128xf32, #tpu.memory_space<vmem>>[vector<16xi32>, vector<16xi32>], vector<16xf32>,
    %add3A_61 = arith.constant 1 : i32
    %add3A_62 = vector.broadcast %add3A_61 : i32 to vector<16xi32>
    %add3A_63 = arith.addi %mul3A_50, %add3A_62 : vector<16xi32>
    tpu.vector_store_idx %arg11[%add3A_63], %gather3A_60 : memref<512xf32, #tpu.memory_space<vmem>>[vector<16xi32>], vector<16xf32>,
    %add3A_64 = arith.constant 2 : i32
    %add3A_65 = vector.broadcast %add3A_64 : i32 to vector<16xi32>
    %add3A_66 = arith.addi %mul3A_47, %add3A_65 : vector<16xi32>
    %gather3A_67 = tpu.vector_load_idx %arg10[%add3A_40, %add3A_66] : memref<32x128xf32, #tpu.memory_space<vmem>>[vector<16xi32>, vector<16xi32>], vector<16xf32>,
    %add3A_68 = arith.constant 2 : i32
    %add3A_69 = vector.broadcast %add3A_68 : i32 to vector<16xi32>
    %add3A_70 = arith.addi %mul3A_50, %add3A_69 : vector<16xi32>
    tpu.vector_store_idx %arg11[%add3A_70], %gather3A_67 : memref<512xf32, #tpu.memory_space<vmem>>[vector<16xi32>], vector<16xf32>,
    %add3A_71 = arith.constant 3 : i32
    %add3A_72 = vector.broadcast %add3A_71 : i32 to vector<16xi32>
    %add3A_73 = arith.addi %mul3A_47, %add3A_72 : vector<16xi32>
    %gather3A_74 = tpu.vector_load_idx %arg10[%add3A_40, %add3A_73] : memref<32x128xf32, #tpu.memory_space<vmem>>[vector<16xi32>, vector<16xi32>], vector<16xf32>,
    %add3A_75 = arith.constant 3 : i32
    %add3A_76 = vector.broadcast %add3A_75 : i32 to vector<16xi32>
    %add3A_77 = arith.addi %mul3A_50, %add3A_76 : vector<16xi32>
    tpu.vector_store_idx %arg11[%add3A_77], %gather3A_74 : memref<512xf32, #tpu.memory_space<vmem>>[vector<16xi32>], vector<16xf32>,
    %add3A_78 = arith.constant 4 : i32
    %add3A_79 = vector.broadcast %add3A_78 : i32 to vector<16xi32>
    %add3A_80 = arith.addi %mul3A_47, %add3A_79 : vector<16xi32>
    %gather3A_81 = tpu.vector_load_idx %arg10[%add3A_40, %add3A_80] : memref<32x128xf32, #tpu.memory_space<vmem>>[vector<16xi32>, vector<16xi32>], vector<16xf32>,
    %add3A_82 = arith.constant 4 : i32
    %add3A_83 = vector.broadcast %add3A_82 : i32 to vector<16xi32>
    %add3A_84 = arith.addi %mul3A_50, %add3A_83 : vector<16xi32>
    tpu.vector_store_idx %arg11[%add3A_84], %gather3A_81 : memref<512xf32, #tpu.memory_space<vmem>>[vector<16xi32>], vector<16xf32>,
    %add3A_85 = arith.constant 5 : i32
    %add3A_86 = vector.broadcast %add3A_85 : i32 to vector<16xi32>
    %add3A_87 = arith.addi %mul3A_47, %add3A_86 : vector<16xi32>
    %gather3A_88 = tpu.vector_load_idx %arg10[%add3A_40, %add3A_87] : memref<32x128xf32, #tpu.memory_space<vmem>>[vector<16xi32>, vector<16xi32>], vector<16xf32>,
    %add3A_89 = arith.constant 5 : i32
    %add3A_90 = vector.broadcast %add3A_89 : i32 to vector<16xi32>
    %add3A_91 = arith.addi %mul3A_50, %add3A_90 : vector<16xi32>
    tpu.vector_store_idx %arg11[%add3A_91], %gather3A_88 : memref<512xf32, #tpu.memory_space<vmem>>[vector<16xi32>], vector<16xf32>,
    %add3A_92 = arith.constant 6 : i32
    %add3A_93 = vector.broadcast %add3A_92 : i32 to vector<16xi32>
    %add3A_94 = arith.addi %mul3A_47, %add3A_93 : vector<16xi32>
    %gather3A_95 = tpu.vector_load_idx %arg10[%add3A_40, %add3A_94] : memref<32x128xf32, #tpu.memory_space<vmem>>[vector<16xi32>, vector<16xi32>], vector<16xf32>,
    %add3A_96 = arith.constant 6 : i32
    %add3A_97 = vector.broadcast %add3A_96 : i32 to vector<16xi32>
    %add3A_98 = arith.addi %mul3A_50, %add3A_97 : vector<16xi32>
    tpu.vector_store_idx %arg11[%add3A_98], %gather3A_95 : memref<512xf32, #tpu.memory_space<vmem>>[vector<16xi32>], vector<16xf32>,
    %add3A_99 = arith.constant 7 : i32
    %add3A_100 = vector.broadcast %add3A_99 : i32 to vector<16xi32>
    %add3A_101 = arith.addi %mul3A_47, %add3A_100 : vector<16xi32>
    %gather3A_102 = tpu.vector_load_idx %arg10[%add3A_40, %add3A_101] : memref<32x128xf32, #tpu.memory_space<vmem>>[vector<16xi32>, vector<16xi32>], vector<16xf32>,
    %add3A_103 = arith.constant 7 : i32
    %add3A_104 = vector.broadcast %add3A_103 : i32 to vector<16xi32>
    %add3A_105 = arith.addi %mul3A_50, %add3A_104 : vector<16xi32>
    tpu.vector_store_idx %arg11[%add3A_105], %gather3A_102 : memref<512xf32, #tpu.memory_space<vmem>>[vector<16xi32>], vector<16xf32>,
    %add3A_106 = arith.constant 8 : i32
    %add3A_107 = vector.broadcast %add3A_106 : i32 to vector<16xi32>
    %add3A_108 = arith.addi %mul3A_47, %add3A_107 : vector<16xi32>
    %gather3A_109 = tpu.vector_load_idx %arg10[%add3A_40, %add3A_108] : memref<32x128xf32, #tpu.memory_space<vmem>>[vector<16xi32>, vector<16xi32>], vector<16xf32>,
    %add3A_110 = arith.constant 8 : i32
    %add3A_111 = vector.broadcast %add3A_110 : i32 to vector<16xi32>
    %add3A_112 = arith.addi %mul3A_50, %add3A_111 : vector<16xi32>
    tpu.vector_store_idx %arg11[%add3A_112], %gather3A_109 : memref<512xf32, #tpu.memory_space<vmem>>[vector<16xi32>], vector<16xf32>,
    %add3A_113 = arith.constant 9 : i32
    %add3A_114 = vector.broadcast %add3A_113 : i32 to vector<16xi32>
    %add3A_115 = arith.addi %mul3A_47, %add3A_114 : vector<16xi32>
    %gather3A_116 = tpu.vector_load_idx %arg10[%add3A_40, %add3A_115] : memref<32x128xf32, #tpu.memory_space<vmem>>[vector<16xi32>, vector<16xi32>], vector<16xf32>,
    %add3A_117 = arith.constant 9 : i32
    %add3A_118 = vector.broadcast %add3A_117 : i32 to vector<16xi32>
    %add3A_119 = arith.addi %mul3A_50, %add3A_118 : vector<16xi32>
    tpu.vector_store_idx %arg11[%add3A_119], %gather3A_116 : memref<512xf32, #tpu.memory_space<vmem>>[vector<16xi32>], vector<16xf32>,
    %add3A_120 = arith.constant 10 : i32
    %add3A_121 = vector.broadcast %add3A_120 : i32 to vector<16xi32>
    %add3A_122 = arith.addi %mul3A_47, %add3A_121 : vector<16xi32>
    %gather3A_123 = tpu.vector_load_idx %arg10[%add3A_40, %add3A_122] : memref<32x128xf32, #tpu.memory_space<vmem>>[vector<16xi32>, vector<16xi32>], vector<16xf32>,
    %add3A_124 = arith.constant 10 : i32
    %add3A_125 = vector.broadcast %add3A_124 : i32 to vector<16xi32>
    %add3A_126 = arith.addi %mul3A_50, %add3A_125 : vector<16xi32>
    tpu.vector_store_idx %arg11[%add3A_126], %gather3A_123 : memref<512xf32, #tpu.memory_space<vmem>>[vector<16xi32>], vector<16xf32>,
    %add3A_127 = arith.constant 11 : i32
    %add3A_128 = vector.broadcast %add3A_127 : i32 to vector<16xi32>
    %add3A_129 = arith.addi %mul3A_47, %add3A_128 : vector<16xi32>
    %gather3A_130 = tpu.vector_load_idx %arg10[%add3A_40, %add3A_129] : memref<32x128xf32, #tpu.memory_space<vmem>>[vector<16xi32>, vector<16xi32>], vector<16xf32>,
    %add3A_131 = arith.constant 11 : i32
    %add3A_132 = vector.broadcast %add3A_131 : i32 to vector<16xi32>
    %add3A_133 = arith.addi %mul3A_50, %add3A_132 : vector<16xi32>
    tpu.vector_store_idx %arg11[%add3A_133], %gather3A_130 : memref<512xf32, #tpu.memory_space<vmem>>[vector<16xi32>], vector<16xf32>,
    %add3A_134 = arith.constant 12 : i32
    %add3A_135 = vector.broadcast %add3A_134 : i32 to vector<16xi32>
    %add3A_136 = arith.addi %mul3A_47, %add3A_135 : vector<16xi32>
    %gather3A_137 = tpu.vector_load_idx %arg10[%add3A_40, %add3A_136] : memref<32x128xf32, #tpu.memory_space<vmem>>[vector<16xi32>, vector<16xi32>], vector<16xf32>,
    %add3A_138 = arith.constant 12 : i32
    %add3A_139 = vector.broadcast %add3A_138 : i32 to vector<16xi32>
    %add3A_140 = arith.addi %mul3A_50, %add3A_139 : vector<16xi32>
    tpu.vector_store_idx %arg11[%add3A_140], %gather3A_137 : memref<512xf32, #tpu.memory_space<vmem>>[vector<16xi32>], vector<16xf32>,
    %add3A_141 = arith.constant 13 : i32
    %add3A_142 = vector.broadcast %add3A_141 : i32 to vector<16xi32>
    %add3A_143 = arith.addi %mul3A_47, %add3A_142 : vector<16xi32>
    %gather3A_144 = tpu.vector_load_idx %arg10[%add3A_40, %add3A_143] : memref<32x128xf32, #tpu.memory_space<vmem>>[vector<16xi32>, vector<16xi32>], vector<16xf32>,
    %add3A_145 = arith.constant 13 : i32
    %add3A_146 = vector.broadcast %add3A_145 : i32 to vector<16xi32>
    %add3A_147 = arith.addi %mul3A_50, %add3A_146 : vector<16xi32>
    tpu.vector_store_idx %arg11[%add3A_147], %gather3A_144 : memref<512xf32, #tpu.memory_space<vmem>>[vector<16xi32>], vector<16xf32>,
    %add3A_148 = arith.constant 14 : i32
    %add3A_149 = vector.broadcast %add3A_148 : i32 to vector<16xi32>
    %add3A_150 = arith.addi %mul3A_47, %add3A_149 : vector<16xi32>
    %gather3A_151 = tpu.vector_load_idx %arg10[%add3A_40, %add3A_150] : memref<32x128xf32, #tpu.memory_space<vmem>>[vector<16xi32>, vector<16xi32>], vector<16xf32>,
    %add3A_152 = arith.constant 14 : i32
    %add3A_153 = vector.broadcast %add3A_152 : i32 to vector<16xi32>
    %add3A_154 = arith.addi %mul3A_50, %add3A_153 : vector<16xi32>
    tpu.vector_store_idx %arg11[%add3A_154], %gather3A_151 : memref<512xf32, #tpu.memory_space<vmem>>[vector<16xi32>], vector<16xf32>,
    %add3A_155 = arith.constant 15 : i32
    %add3A_156 = vector.broadcast %add3A_155 : i32 to vector<16xi32>
    %add3A_157 = arith.addi %mul3A_47, %add3A_156 : vector<16xi32>
    %gather3A_158 = tpu.vector_load_idx %arg10[%add3A_40, %add3A_157] : memref<32x128xf32, #tpu.memory_space<vmem>>[vector<16xi32>, vector<16xi32>], vector<16xf32>,
    %add3A_159 = arith.constant 15 : i32
    %add3A_160 = vector.broadcast %add3A_159 : i32 to vector<16xi32>
    %add3A_161 = arith.addi %mul3A_50, %add3A_160 : vector<16xi32>
    tpu.vector_store_idx %arg11[%add3A_161], %gather3A_158 : memref<512xf32, #tpu.memory_space<vmem>>[vector<16xi32>], vector<16xf32>,
    %get3A_162 = arith.constant 0 : index
    %get3A_163 = tpu.vector_load %arg12[%get3A_162] {strides = array<i32>} : memref<32xi32, #tpu.memory_space<vmem>>, vector<16xi32>,
    %and3A_164 = arith.constant 7 : i32
    %and3A_165 = vector.broadcast %and3A_164 : i32 to vector<16xi32>
    %and3A_166 = arith.andi %get3A_163, %and3A_165 : vector<16xi32>
    %mul3A_167 = arith.constant 16 : i32
    %mul3A_168 = vector.broadcast %mul3A_167 : i32 to vector<16xi32>
    %mul3A_169 = arith.muli %and3A_166, %mul3A_168 : vector<16xi32>
    %mul3A_170 = arith.constant 16 : i32
    %mul3A_171 = vector.broadcast %mul3A_170 : i32 to vector<16xi32>
    %mul3A_172 = arith.muli %add3A_40, %mul3A_171 : vector<16xi32>
    %add3A_173 = arith.constant 0 : i32
    %add3A_174 = vector.broadcast %add3A_173 : i32 to vector<16xi32>
    %add3A_175 = arith.addi %mul3A_169, %add3A_174 : vector<16xi32>
    %gather3A_176 = tpu.vector_load_idx %arg14[%add3A_40, %add3A_175] : memref<32x128xf32, #tpu.memory_space<vmem>>[vector<16xi32>, vector<16xi32>], vector<16xf32>,
    %add3A_177 = arith.constant 0 : i32
    %add3A_178 = vector.broadcast %add3A_177 : i32 to vector<16xi32>
    %add3A_179 = arith.addi %mul3A_172, %add3A_178 : vector<16xi32>
    tpu.vector_store_idx %arg15[%add3A_179], %gather3A_176 : memref<512xf32, #tpu.memory_space<vmem>>[vector<16xi32>], vector<16xf32>,
    %add3A_180 = arith.constant 1 : i32
    %add3A_181 = vector.broadcast %add3A_180 : i32 to vector<16xi32>
    %add3A_182 = arith.addi %mul3A_169, %add3A_181 : vector<16xi32>
    %gather3A_183 = tpu.vector_load_idx %arg14[%add3A_40, %add3A_182] : memref<32x128xf32, #tpu.memory_space<vmem>>[vector<16xi32>, vector<16xi32>], vector<16xf32>,
    %add3A_184 = arith.constant 1 : i32
    %add3A_185 = vector.broadcast %add3A_184 : i32 to vector<16xi32>
    %add3A_186 = arith.addi %mul3A_172, %add3A_185 : vector<16xi32>
    tpu.vector_store_idx %arg15[%add3A_186], %gather3A_183 : memref<512xf32, #tpu.memory_space<vmem>>[vector<16xi32>], vector<16xf32>,
    %add3A_187 = arith.constant 2 : i32
    %add3A_188 = vector.broadcast %add3A_187 : i32 to vector<16xi32>
    %add3A_189 = arith.addi %mul3A_169, %add3A_188 : vector<16xi32>
    %gather3A_190 = tpu.vector_load_idx %arg14[%add3A_40, %add3A_189] : memref<32x128xf32, #tpu.memory_space<vmem>>[vector<16xi32>, vector<16xi32>], vector<16xf32>,
    %add3A_191 = arith.constant 2 : i32
    %add3A_192 = vector.broadcast %add3A_191 : i32 to vector<16xi32>
    %add3A_193 = arith.addi %mul3A_172, %add3A_192 : vector<16xi32>
    tpu.vector_store_idx %arg15[%add3A_193], %gather3A_190 : memref<512xf32, #tpu.memory_space<vmem>>[vector<16xi32>], vector<16xf32>,
    %add3A_194 = arith.constant 3 : i32
    %add3A_195 = vector.broadcast %add3A_194 : i32 to vector<16xi32>
    %add3A_196 = arith.addi %mul3A_169, %add3A_195 : vector<16xi32>
    %gather3A_197 = tpu.vector_load_idx %arg14[%add3A_40, %add3A_196] : memref<32x128xf32, #tpu.memory_space<vmem>>[vector<16xi32>, vector<16xi32>], vector<16xf32>,
    %add3A_198 = arith.constant 3 : i32
    %add3A_199 = vector.broadcast %add3A_198 : i32 to vector<16xi32>
    %add3A_200 = arith.addi %mul3A_172, %add3A_199 : vector<16xi32>
    tpu.vector_store_idx %arg15[%add3A_200], %gather3A_197 : memref<512xf32, #tpu.memory_space<vmem>>[vector<16xi32>], vector<16xf32>,
    %add3A_201 = arith.constant 4 : i32
    %add3A_202 = vector.broadcast %add3A_201 : i32 to vector<16xi32>
    %add3A_203 = arith.addi %mul3A_169, %add3A_202 : vector<16xi32>
    %gather3A_204 = tpu.vector_load_idx %arg14[%add3A_40, %add3A_203] : memref<32x128xf32, #tpu.memory_space<vmem>>[vector<16xi32>, vector<16xi32>], vector<16xf32>,
    %add3A_205 = arith.constant 4 : i32
    %add3A_206 = vector.broadcast %add3A_205 : i32 to vector<16xi32>
    %add3A_207 = arith.addi %mul3A_172, %add3A_206 : vector<16xi32>
    tpu.vector_store_idx %arg15[%add3A_207], %gather3A_204 : memref<512xf32, #tpu.memory_space<vmem>>[vector<16xi32>], vector<16xf32>,
    %add3A_208 = arith.constant 5 : i32
    %add3A_209 = vector.broadcast %add3A_208 : i32 to vector<16xi32>
    %add3A_210 = arith.addi %mul3A_169, %add3A_209 : vector<16xi32>
    %gather3A_211 = tpu.vector_load_idx %arg14[%add3A_40, %add3A_210] : memref<32x128xf32, #tpu.memory_space<vmem>>[vector<16xi32>, vector<16xi32>], vector<16xf32>,
    %add3A_212 = arith.constant 5 : i32
    %add3A_213 = vector.broadcast %add3A_212 : i32 to vector<16xi32>
    %add3A_214 = arith.addi %mul3A_172, %add3A_213 : vector<16xi32>
    tpu.vector_store_idx %arg15[%add3A_214], %gather3A_211 : memref<512xf32, #tpu.memory_space<vmem>>[vector<16xi32>], vector<16xf32>,
    %add3A_215 = arith.constant 6 : i32
    %add3A_216 = vector.broadcast %add3A_215 : i32 to vector<16xi32>
    %add3A_217 = arith.addi %mul3A_169, %add3A_216 : vector<16xi32>
    %gather3A_218 = tpu.vector_load_idx %arg14[%add3A_40, %add3A_217] : memref<32x128xf32, #tpu.memory_space<vmem>>[vector<16xi32>, vector<16xi32>], vector<16xf32>,
    %add3A_219 = arith.constant 6 : i32
    %add3A_220 = vector.broadcast %add3A_219 : i32 to vector<16xi32>
    %add3A_221 = arith.addi %mul3A_172, %add3A_220 : vector<16xi32>
    tpu.vector_store_idx %arg15[%add3A_221], %gather3A_218 : memref<512xf32, #tpu.memory_space<vmem>>[vector<16xi32>], vector<16xf32>,
    %add3A_222 = arith.constant 7 : i32
    %add3A_223 = vector.broadcast %add3A_222 : i32 to vector<16xi32>
    %add3A_224 = arith.addi %mul3A_169, %add3A_223 : vector<16xi32>
    %gather3A_225 = tpu.vector_load_idx %arg14[%add3A_40, %add3A_224] : memref<32x128xf32, #tpu.memory_space<vmem>>[vector<16xi32>, vector<16xi32>], vector<16xf32>,
    %add3A_226 = arith.constant 7 : i32
    %add3A_227 = vector.broadcast %add3A_226 : i32 to vector<16xi32>
    %add3A_228 = arith.addi %mul3A_172, %add3A_227 : vector<16xi32>
    tpu.vector_store_idx %arg15[%add3A_228], %gather3A_225 : memref<512xf32, #tpu.memory_space<vmem>>[vector<16xi32>], vector<16xf32>,
    %add3A_229 = arith.constant 8 : i32
    %add3A_230 = vector.broadcast %add3A_229 : i32 to vector<16xi32>
    %add3A_231 = arith.addi %mul3A_169, %add3A_230 : vector<16xi32>
    %gather3A_232 = tpu.vector_load_idx %arg14[%add3A_40, %add3A_231] : memref<32x128xf32, #tpu.memory_space<vmem>>[vector<16xi32>, vector<16xi32>], vector<16xf32>,
    %add3A_233 = arith.constant 8 : i32
    %add3A_234 = vector.broadcast %add3A_233 : i32 to vector<16xi32>
    %add3A_235 = arith.addi %mul3A_172, %add3A_234 : vector<16xi32>
    tpu.vector_store_idx %arg15[%add3A_235], %gather3A_232 : memref<512xf32, #tpu.memory_space<vmem>>[vector<16xi32>], vector<16xf32>,
    %add3A_236 = arith.constant 9 : i32
    %add3A_237 = vector.broadcast %add3A_236 : i32 to vector<16xi32>
    %add3A_238 = arith.addi %mul3A_169, %add3A_237 : vector<16xi32>
    %gather3A_239 = tpu.vector_load_idx %arg14[%add3A_40, %add3A_238] : memref<32x128xf32, #tpu.memory_space<vmem>>[vector<16xi32>, vector<16xi32>], vector<16xf32>,
    %add3A_240 = arith.constant 9 : i32
    %add3A_241 = vector.broadcast %add3A_240 : i32 to vector<16xi32>
    %add3A_242 = arith.addi %mul3A_172, %add3A_241 : vector<16xi32>
    tpu.vector_store_idx %arg15[%add3A_242], %gather3A_239 : memref<512xf32, #tpu.memory_space<vmem>>[vector<16xi32>], vector<16xf32>,
    %add3A_243 = arith.constant 10 : i32
    %add3A_244 = vector.broadcast %add3A_243 : i32 to vector<16xi32>
    %add3A_245 = arith.addi %mul3A_169, %add3A_244 : vector<16xi32>
    %gather3A_246 = tpu.vector_load_idx %arg14[%add3A_40, %add3A_245] : memref<32x128xf32, #tpu.memory_space<vmem>>[vector<16xi32>, vector<16xi32>], vector<16xf32>,
    %add3A_247 = arith.constant 10 : i32
    %add3A_248 = vector.broadcast %add3A_247 : i32 to vector<16xi32>
    %add3A_249 = arith.addi %mul3A_172, %add3A_248 : vector<16xi32>
    tpu.vector_store_idx %arg15[%add3A_249], %gather3A_246 : memref<512xf32, #tpu.memory_space<vmem>>[vector<16xi32>], vector<16xf32>,
    %add3A_250 = arith.constant 11 : i32
    %add3A_251 = vector.broadcast %add3A_250 : i32 to vector<16xi32>
    %add3A_252 = arith.addi %mul3A_169, %add3A_251 : vector<16xi32>
    %gather3A_253 = tpu.vector_load_idx %arg14[%add3A_40, %add3A_252] : memref<32x128xf32, #tpu.memory_space<vmem>>[vector<16xi32>, vector<16xi32>], vector<16xf32>,
    %add3A_254 = arith.constant 11 : i32
    %add3A_255 = vector.broadcast %add3A_254 : i32 to vector<16xi32>
    %add3A_256 = arith.addi %mul3A_172, %add3A_255 : vector<16xi32>
    tpu.vector_store_idx %arg15[%add3A_256], %gather3A_253 : memref<512xf32, #tpu.memory_space<vmem>>[vector<16xi32>], vector<16xf32>,
    %add3A_257 = arith.constant 12 : i32
    %add3A_258 = vector.broadcast %add3A_257 : i32 to vector<16xi32>
    %add3A_259 = arith.addi %mul3A_169, %add3A_258 : vector<16xi32>
    %gather3A_260 = tpu.vector_load_idx %arg14[%add3A_40, %add3A_259] : memref<32x128xf32, #tpu.memory_space<vmem>>[vector<16xi32>, vector<16xi32>], vector<16xf32>,
    %add3A_261 = arith.constant 12 : i32
    %add3A_262 = vector.broadcast %add3A_261 : i32 to vector<16xi32>
    %add3A_263 = arith.addi %mul3A_172, %add3A_262 : vector<16xi32>
    tpu.vector_store_idx %arg15[%add3A_263], %gather3A_260 : memref<512xf32, #tpu.memory_space<vmem>>[vector<16xi32>], vector<16xf32>,
    %add3A_264 = arith.constant 13 : i32
    %add3A_265 = vector.broadcast %add3A_264 : i32 to vector<16xi32>
    %add3A_266 = arith.addi %mul3A_169, %add3A_265 : vector<16xi32>
    %gather3A_267 = tpu.vector_load_idx %arg14[%add3A_40, %add3A_266] : memref<32x128xf32, #tpu.memory_space<vmem>>[vector<16xi32>, vector<16xi32>], vector<16xf32>,
    %add3A_268 = arith.constant 13 : i32
    %add3A_269 = vector.broadcast %add3A_268 : i32 to vector<16xi32>
    %add3A_270 = arith.addi %mul3A_172, %add3A_269 : vector<16xi32>
    tpu.vector_store_idx %arg15[%add3A_270], %gather3A_267 : memref<512xf32, #tpu.memory_space<vmem>>[vector<16xi32>], vector<16xf32>,
    %add3A_271 = arith.constant 14 : i32
    %add3A_272 = vector.broadcast %add3A_271 : i32 to vector<16xi32>
    %add3A_273 = arith.addi %mul3A_169, %add3A_272 : vector<16xi32>
    %gather3A_274 = tpu.vector_load_idx %arg14[%add3A_40, %add3A_273] : memref<32x128xf32, #tpu.memory_space<vmem>>[vector<16xi32>, vector<16xi32>], vector<16xf32>,
    %add3A_275 = arith.constant 14 : i32
    %add3A_276 = vector.broadcast %add3A_275 : i32 to vector<16xi32>
    %add3A_277 = arith.addi %mul3A_172, %add3A_276 : vector<16xi32>
    tpu.vector_store_idx %arg15[%add3A_277], %gather3A_274 : memref<512xf32, #tpu.memory_space<vmem>>[vector<16xi32>], vector<16xf32>,
    %add3A_278 = arith.constant 15 : i32
    %add3A_279 = vector.broadcast %add3A_278 : i32 to vector<16xi32>
    %add3A_280 = arith.addi %mul3A_169, %add3A_279 : vector<16xi32>
    %gather3A_281 = tpu.vector_load_idx %arg14[%add3A_40, %add3A_280] : memref<32x128xf32, #tpu.memory_space<vmem>>[vector<16xi32>, vector<16xi32>], vector<16xf32>,
    %add3A_282 = arith.constant 15 : i32
    %add3A_283 = vector.broadcast %add3A_282 : i32 to vector<16xi32>
    %add3A_284 = arith.addi %mul3A_172, %add3A_283 : vector<16xi32>
    tpu.vector_store_idx %arg15[%add3A_284], %gather3A_281 : memref<512xf32, #tpu.memory_space<vmem>>[vector<16xi32>], vector<16xf32>,
    %add3A_285 = arith.constant 16 : i32
    %add3A_286 = vector.broadcast %add3A_285 : i32 to vector<16xi32>
    %add3A_287 = arith.addi %add3A_286, %iota3A : vector<16xi32>
    %get3A_288 = arith.constant 16 : index
    %get3A_289 = tpu.vector_load %arg8[%get3A_288] {strides = array<i32>} : memref<32xi32, #tpu.memory_space<vmem>>, vector<16xi32>,
    %and3A_290 = arith.constant 7 : i32
    %and3A_291 = vector.broadcast %and3A_290 : i32 to vector<16xi32>
    %and3A_292 = arith.andi %get3A_289, %and3A_291 : vector<16xi32>
    %mul3A_293 = arith.constant 16 : i32
    %mul3A_294 = vector.broadcast %mul3A_293 : i32 to vector<16xi32>
    %mul3A_295 = arith.muli %and3A_292, %mul3A_294 : vector<16xi32>
    %mul3A_296 = arith.constant 16 : i32
    %mul3A_297 = vector.broadcast %mul3A_296 : i32 to vector<16xi32>
    %mul3A_298 = arith.muli %add3A_287, %mul3A_297 : vector<16xi32>
    %add3A_299 = arith.constant 0 : i32
    %add3A_300 = vector.broadcast %add3A_299 : i32 to vector<16xi32>
    %add3A_301 = arith.addi %mul3A_295, %add3A_300 : vector<16xi32>
    %gather3A_302 = tpu.vector_load_idx %arg10[%add3A_287, %add3A_301] : memref<32x128xf32, #tpu.memory_space<vmem>>[vector<16xi32>, vector<16xi32>], vector<16xf32>,
    %add3A_303 = arith.constant 0 : i32
    %add3A_304 = vector.broadcast %add3A_303 : i32 to vector<16xi32>
    %add3A_305 = arith.addi %mul3A_298, %add3A_304 : vector<16xi32>
    tpu.vector_store_idx %arg11[%add3A_305], %gather3A_302 : memref<512xf32, #tpu.memory_space<vmem>>[vector<16xi32>], vector<16xf32>,
    %add3A_306 = arith.constant 1 : i32
    %add3A_307 = vector.broadcast %add3A_306 : i32 to vector<16xi32>
    %add3A_308 = arith.addi %mul3A_295, %add3A_307 : vector<16xi32>
    %gather3A_309 = tpu.vector_load_idx %arg10[%add3A_287, %add3A_308] : memref<32x128xf32, #tpu.memory_space<vmem>>[vector<16xi32>, vector<16xi32>], vector<16xf32>,
    %add3A_310 = arith.constant 1 : i32
    %add3A_311 = vector.broadcast %add3A_310 : i32 to vector<16xi32>
    %add3A_312 = arith.addi %mul3A_298, %add3A_311 : vector<16xi32>
    tpu.vector_store_idx %arg11[%add3A_312], %gather3A_309 : memref<512xf32, #tpu.memory_space<vmem>>[vector<16xi32>], vector<16xf32>,
    %add3A_313 = arith.constant 2 : i32
    %add3A_314 = vector.broadcast %add3A_313 : i32 to vector<16xi32>
    %add3A_315 = arith.addi %mul3A_295, %add3A_314 : vector<16xi32>
    %gather3A_316 = tpu.vector_load_idx %arg10[%add3A_287, %add3A_315] : memref<32x128xf32, #tpu.memory_space<vmem>>[vector<16xi32>, vector<16xi32>], vector<16xf32>,
    %add3A_317 = arith.constant 2 : i32
    %add3A_318 = vector.broadcast %add3A_317 : i32 to vector<16xi32>
    %add3A_319 = arith.addi %mul3A_298, %add3A_318 : vector<16xi32>
    tpu.vector_store_idx %arg11[%add3A_319], %gather3A_316 : memref<512xf32, #tpu.memory_space<vmem>>[vector<16xi32>], vector<16xf32>,
    %add3A_320 = arith.constant 3 : i32
    %add3A_321 = vector.broadcast %add3A_320 : i32 to vector<16xi32>
    %add3A_322 = arith.addi %mul3A_295, %add3A_321 : vector<16xi32>
    %gather3A_323 = tpu.vector_load_idx %arg10[%add3A_287, %add3A_322] : memref<32x128xf32, #tpu.memory_space<vmem>>[vector<16xi32>, vector<16xi32>], vector<16xf32>,
    %add3A_324 = arith.constant 3 : i32
    %add3A_325 = vector.broadcast %add3A_324 : i32 to vector<16xi32>
    %add3A_326 = arith.addi %mul3A_298, %add3A_325 : vector<16xi32>
    tpu.vector_store_idx %arg11[%add3A_326], %gather3A_323 : memref<512xf32, #tpu.memory_space<vmem>>[vector<16xi32>], vector<16xf32>,
    %add3A_327 = arith.constant 4 : i32
    %add3A_328 = vector.broadcast %add3A_327 : i32 to vector<16xi32>
    %add3A_329 = arith.addi %mul3A_295, %add3A_328 : vector<16xi32>
    %gather3A_330 = tpu.vector_load_idx %arg10[%add3A_287, %add3A_329] : memref<32x128xf32, #tpu.memory_space<vmem>>[vector<16xi32>, vector<16xi32>], vector<16xf32>,
    %add3A_331 = arith.constant 4 : i32
    %add3A_332 = vector.broadcast %add3A_331 : i32 to vector<16xi32>
    %add3A_333 = arith.addi %mul3A_298, %add3A_332 : vector<16xi32>
    tpu.vector_store_idx %arg11[%add3A_333], %gather3A_330 : memref<512xf32, #tpu.memory_space<vmem>>[vector<16xi32>], vector<16xf32>,
    %add3A_334 = arith.constant 5 : i32
    %add3A_335 = vector.broadcast %add3A_334 : i32 to vector<16xi32>
    %add3A_336 = arith.addi %mul3A_295, %add3A_335 : vector<16xi32>
    %gather3A_337 = tpu.vector_load_idx %arg10[%add3A_287, %add3A_336] : memref<32x128xf32, #tpu.memory_space<vmem>>[vector<16xi32>, vector<16xi32>], vector<16xf32>,
    %add3A_338 = arith.constant 5 : i32
    %add3A_339 = vector.broadcast %add3A_338 : i32 to vector<16xi32>
    %add3A_340 = arith.addi %mul3A_298, %add3A_339 : vector<16xi32>
    tpu.vector_store_idx %arg11[%add3A_340], %gather3A_337 : memref<512xf32, #tpu.memory_space<vmem>>[vector<16xi32>], vector<16xf32>,
    %add3A_341 = arith.constant 6 : i32
    %add3A_342 = vector.broadcast %add3A_341 : i32 to vector<16xi32>
    %add3A_343 = arith.addi %mul3A_295, %add3A_342 : vector<16xi32>
    %gather3A_344 = tpu.vector_load_idx %arg10[%add3A_287, %add3A_343] : memref<32x128xf32, #tpu.memory_space<vmem>>[vector<16xi32>, vector<16xi32>], vector<16xf32>,
    %add3A_345 = arith.constant 6 : i32
    %add3A_346 = vector.broadcast %add3A_345 : i32 to vector<16xi32>
    %add3A_347 = arith.addi %mul3A_298, %add3A_346 : vector<16xi32>
    tpu.vector_store_idx %arg11[%add3A_347], %gather3A_344 : memref<512xf32, #tpu.memory_space<vmem>>[vector<16xi32>], vector<16xf32>,
    %add3A_348 = arith.constant 7 : i32
    %add3A_349 = vector.broadcast %add3A_348 : i32 to vector<16xi32>
    %add3A_350 = arith.addi %mul3A_295, %add3A_349 : vector<16xi32>
    %gather3A_351 = tpu.vector_load_idx %arg10[%add3A_287, %add3A_350] : memref<32x128xf32, #tpu.memory_space<vmem>>[vector<16xi32>, vector<16xi32>], vector<16xf32>,
    %add3A_352 = arith.constant 7 : i32
    %add3A_353 = vector.broadcast %add3A_352 : i32 to vector<16xi32>
    %add3A_354 = arith.addi %mul3A_298, %add3A_353 : vector<16xi32>
    tpu.vector_store_idx %arg11[%add3A_354], %gather3A_351 : memref<512xf32, #tpu.memory_space<vmem>>[vector<16xi32>], vector<16xf32>,
    %add3A_355 = arith.constant 8 : i32
    %add3A_356 = vector.broadcast %add3A_355 : i32 to vector<16xi32>
    %add3A_357 = arith.addi %mul3A_295, %add3A_356 : vector<16xi32>
    %gather3A_358 = tpu.vector_load_idx %arg10[%add3A_287, %add3A_357] : memref<32x128xf32, #tpu.memory_space<vmem>>[vector<16xi32>, vector<16xi32>], vector<16xf32>,
    %add3A_359 = arith.constant 8 : i32
    %add3A_360 = vector.broadcast %add3A_359 : i32 to vector<16xi32>
    %add3A_361 = arith.addi %mul3A_298, %add3A_360 : vector<16xi32>
    tpu.vector_store_idx %arg11[%add3A_361], %gather3A_358 : memref<512xf32, #tpu.memory_space<vmem>>[vector<16xi32>], vector<16xf32>,
    %add3A_362 = arith.constant 9 : i32
    %add3A_363 = vector.broadcast %add3A_362 : i32 to vector<16xi32>
    %add3A_364 = arith.addi %mul3A_295, %add3A_363 : vector<16xi32>
    %gather3A_365 = tpu.vector_load_idx %arg10[%add3A_287, %add3A_364] : memref<32x128xf32, #tpu.memory_space<vmem>>[vector<16xi32>, vector<16xi32>], vector<16xf32>,
    %add3A_366 = arith.constant 9 : i32
    %add3A_367 = vector.broadcast %add3A_366 : i32 to vector<16xi32>
    %add3A_368 = arith.addi %mul3A_298, %add3A_367 : vector<16xi32>
    tpu.vector_store_idx %arg11[%add3A_368], %gather3A_365 : memref<512xf32, #tpu.memory_space<vmem>>[vector<16xi32>], vector<16xf32>,
    %add3A_369 = arith.constant 10 : i32
    %add3A_370 = vector.broadcast %add3A_369 : i32 to vector<16xi32>
    %add3A_371 = arith.addi %mul3A_295, %add3A_370 : vector<16xi32>
    %gather3A_372 = tpu.vector_load_idx %arg10[%add3A_287, %add3A_371] : memref<32x128xf32, #tpu.memory_space<vmem>>[vector<16xi32>, vector<16xi32>], vector<16xf32>,
    %add3A_373 = arith.constant 10 : i32
    %add3A_374 = vector.broadcast %add3A_373 : i32 to vector<16xi32>
    %add3A_375 = arith.addi %mul3A_298, %add3A_374 : vector<16xi32>
    tpu.vector_store_idx %arg11[%add3A_375], %gather3A_372 : memref<512xf32, #tpu.memory_space<vmem>>[vector<16xi32>], vector<16xf32>,
    %add3A_376 = arith.constant 11 : i32
    %add3A_377 = vector.broadcast %add3A_376 : i32 to vector<16xi32>
    %add3A_378 = arith.addi %mul3A_295, %add3A_377 : vector<16xi32>
    %gather3A_379 = tpu.vector_load_idx %arg10[%add3A_287, %add3A_378] : memref<32x128xf32, #tpu.memory_space<vmem>>[vector<16xi32>, vector<16xi32>], vector<16xf32>,
    %add3A_380 = arith.constant 11 : i32
    %add3A_381 = vector.broadcast %add3A_380 : i32 to vector<16xi32>
    %add3A_382 = arith.addi %mul3A_298, %add3A_381 : vector<16xi32>
    tpu.vector_store_idx %arg11[%add3A_382], %gather3A_379 : memref<512xf32, #tpu.memory_space<vmem>>[vector<16xi32>], vector<16xf32>,
    %add3A_383 = arith.constant 12 : i32
    %add3A_384 = vector.broadcast %add3A_383 : i32 to vector<16xi32>
    %add3A_385 = arith.addi %mul3A_295, %add3A_384 : vector<16xi32>
    %gather3A_386 = tpu.vector_load_idx %arg10[%add3A_287, %add3A_385] : memref<32x128xf32, #tpu.memory_space<vmem>>[vector<16xi32>, vector<16xi32>], vector<16xf32>,
    %add3A_387 = arith.constant 12 : i32
    %add3A_388 = vector.broadcast %add3A_387 : i32 to vector<16xi32>
    %add3A_389 = arith.addi %mul3A_298, %add3A_388 : vector<16xi32>
    tpu.vector_store_idx %arg11[%add3A_389], %gather3A_386 : memref<512xf32, #tpu.memory_space<vmem>>[vector<16xi32>], vector<16xf32>,
    %add3A_390 = arith.constant 13 : i32
    %add3A_391 = vector.broadcast %add3A_390 : i32 to vector<16xi32>
    %add3A_392 = arith.addi %mul3A_295, %add3A_391 : vector<16xi32>
    %gather3A_393 = tpu.vector_load_idx %arg10[%add3A_287, %add3A_392] : memref<32x128xf32, #tpu.memory_space<vmem>>[vector<16xi32>, vector<16xi32>], vector<16xf32>,
    %add3A_394 = arith.constant 13 : i32
    %add3A_395 = vector.broadcast %add3A_394 : i32 to vector<16xi32>
    %add3A_396 = arith.addi %mul3A_298, %add3A_395 : vector<16xi32>
    tpu.vector_store_idx %arg11[%add3A_396], %gather3A_393 : memref<512xf32, #tpu.memory_space<vmem>>[vector<16xi32>], vector<16xf32>,
    %add3A_397 = arith.constant 14 : i32
    %add3A_398 = vector.broadcast %add3A_397 : i32 to vector<16xi32>
    %add3A_399 = arith.addi %mul3A_295, %add3A_398 : vector<16xi32>
    %gather3A_400 = tpu.vector_load_idx %arg10[%add3A_287, %add3A_399] : memref<32x128xf32, #tpu.memory_space<vmem>>[vector<16xi32>, vector<16xi32>], vector<16xf32>,
    %add3A_401 = arith.constant 14 : i32
    %add3A_402 = vector.broadcast %add3A_401 : i32 to vector<16xi32>
    %add3A_403 = arith.addi %mul3A_298, %add3A_402 : vector<16xi32>
    tpu.vector_store_idx %arg11[%add3A_403], %gather3A_400 : memref<512xf32, #tpu.memory_space<vmem>>[vector<16xi32>], vector<16xf32>,
    %add3A_404 = arith.constant 15 : i32
    %add3A_405 = vector.broadcast %add3A_404 : i32 to vector<16xi32>
    %add3A_406 = arith.addi %mul3A_295, %add3A_405 : vector<16xi32>
    %gather3A_407 = tpu.vector_load_idx %arg10[%add3A_287, %add3A_406] : memref<32x128xf32, #tpu.memory_space<vmem>>[vector<16xi32>, vector<16xi32>], vector<16xf32>,
    %add3A_408 = arith.constant 15 : i32
    %add3A_409 = vector.broadcast %add3A_408 : i32 to vector<16xi32>
    %add3A_410 = arith.addi %mul3A_298, %add3A_409 : vector<16xi32>
    tpu.vector_store_idx %arg11[%add3A_410], %gather3A_407 : memref<512xf32, #tpu.memory_space<vmem>>[vector<16xi32>], vector<16xf32>,
    %get3A_411 = arith.constant 16 : index
    %get3A_412 = tpu.vector_load %arg12[%get3A_411] {strides = array<i32>} : memref<32xi32, #tpu.memory_space<vmem>>, vector<16xi32>,
    %and3A_413 = arith.constant 7 : i32
    %and3A_414 = vector.broadcast %and3A_413 : i32 to vector<16xi32>
    %and3A_415 = arith.andi %get3A_412, %and3A_414 : vector<16xi32>
    %mul3A_416 = arith.constant 16 : i32
    %mul3A_417 = vector.broadcast %mul3A_416 : i32 to vector<16xi32>
    %mul3A_418 = arith.muli %and3A_415, %mul3A_417 : vector<16xi32>
    %mul3A_419 = arith.constant 16 : i32
    %mul3A_420 = vector.broadcast %mul3A_419 : i32 to vector<16xi32>
    %mul3A_421 = arith.muli %add3A_287, %mul3A_420 : vector<16xi32>
    %add3A_422 = arith.constant 0 : i32
    %add3A_423 = vector.broadcast %add3A_422 : i32 to vector<16xi32>
    %add3A_424 = arith.addi %mul3A_418, %add3A_423 : vector<16xi32>
    %gather3A_425 = tpu.vector_load_idx %arg14[%add3A_287, %add3A_424] : memref<32x128xf32, #tpu.memory_space<vmem>>[vector<16xi32>, vector<16xi32>], vector<16xf32>,
    %add3A_426 = arith.constant 0 : i32
    %add3A_427 = vector.broadcast %add3A_426 : i32 to vector<16xi32>
    %add3A_428 = arith.addi %mul3A_421, %add3A_427 : vector<16xi32>
    tpu.vector_store_idx %arg15[%add3A_428], %gather3A_425 : memref<512xf32, #tpu.memory_space<vmem>>[vector<16xi32>], vector<16xf32>,
    %add3A_429 = arith.constant 1 : i32
    %add3A_430 = vector.broadcast %add3A_429 : i32 to vector<16xi32>
    %add3A_431 = arith.addi %mul3A_418, %add3A_430 : vector<16xi32>
    %gather3A_432 = tpu.vector_load_idx %arg14[%add3A_287, %add3A_431] : memref<32x128xf32, #tpu.memory_space<vmem>>[vector<16xi32>, vector<16xi32>], vector<16xf32>,
    %add3A_433 = arith.constant 1 : i32
    %add3A_434 = vector.broadcast %add3A_433 : i32 to vector<16xi32>
    %add3A_435 = arith.addi %mul3A_421, %add3A_434 : vector<16xi32>
    tpu.vector_store_idx %arg15[%add3A_435], %gather3A_432 : memref<512xf32, #tpu.memory_space<vmem>>[vector<16xi32>], vector<16xf32>,
    %add3A_436 = arith.constant 2 : i32
    %add3A_437 = vector.broadcast %add3A_436 : i32 to vector<16xi32>
    %add3A_438 = arith.addi %mul3A_418, %add3A_437 : vector<16xi32>
    %gather3A_439 = tpu.vector_load_idx %arg14[%add3A_287, %add3A_438] : memref<32x128xf32, #tpu.memory_space<vmem>>[vector<16xi32>, vector<16xi32>], vector<16xf32>,
    %add3A_440 = arith.constant 2 : i32
    %add3A_441 = vector.broadcast %add3A_440 : i32 to vector<16xi32>
    %add3A_442 = arith.addi %mul3A_421, %add3A_441 : vector<16xi32>
    tpu.vector_store_idx %arg15[%add3A_442], %gather3A_439 : memref<512xf32, #tpu.memory_space<vmem>>[vector<16xi32>], vector<16xf32>,
    %add3A_443 = arith.constant 3 : i32
    %add3A_444 = vector.broadcast %add3A_443 : i32 to vector<16xi32>
    %add3A_445 = arith.addi %mul3A_418, %add3A_444 : vector<16xi32>
    %gather3A_446 = tpu.vector_load_idx %arg14[%add3A_287, %add3A_445] : memref<32x128xf32, #tpu.memory_space<vmem>>[vector<16xi32>, vector<16xi32>], vector<16xf32>,
    %add3A_447 = arith.constant 3 : i32
    %add3A_448 = vector.broadcast %add3A_447 : i32 to vector<16xi32>
    %add3A_449 = arith.addi %mul3A_421, %add3A_448 : vector<16xi32>
    tpu.vector_store_idx %arg15[%add3A_449], %gather3A_446 : memref<512xf32, #tpu.memory_space<vmem>>[vector<16xi32>], vector<16xf32>,
    %add3A_450 = arith.constant 4 : i32
    %add3A_451 = vector.broadcast %add3A_450 : i32 to vector<16xi32>
    %add3A_452 = arith.addi %mul3A_418, %add3A_451 : vector<16xi32>
    %gather3A_453 = tpu.vector_load_idx %arg14[%add3A_287, %add3A_452] : memref<32x128xf32, #tpu.memory_space<vmem>>[vector<16xi32>, vector<16xi32>], vector<16xf32>,
    %add3A_454 = arith.constant 4 : i32
    %add3A_455 = vector.broadcast %add3A_454 : i32 to vector<16xi32>
    %add3A_456 = arith.addi %mul3A_421, %add3A_455 : vector<16xi32>
    tpu.vector_store_idx %arg15[%add3A_456], %gather3A_453 : memref<512xf32, #tpu.memory_space<vmem>>[vector<16xi32>], vector<16xf32>,
    %add3A_457 = arith.constant 5 : i32
    %add3A_458 = vector.broadcast %add3A_457 : i32 to vector<16xi32>
    %add3A_459 = arith.addi %mul3A_418, %add3A_458 : vector<16xi32>
    %gather3A_460 = tpu.vector_load_idx %arg14[%add3A_287, %add3A_459] : memref<32x128xf32, #tpu.memory_space<vmem>>[vector<16xi32>, vector<16xi32>], vector<16xf32>,
    %add3A_461 = arith.constant 5 : i32
    %add3A_462 = vector.broadcast %add3A_461 : i32 to vector<16xi32>
    %add3A_463 = arith.addi %mul3A_421, %add3A_462 : vector<16xi32>
    tpu.vector_store_idx %arg15[%add3A_463], %gather3A_460 : memref<512xf32, #tpu.memory_space<vmem>>[vector<16xi32>], vector<16xf32>,
    %add3A_464 = arith.constant 6 : i32
    %add3A_465 = vector.broadcast %add3A_464 : i32 to vector<16xi32>
    %add3A_466 = arith.addi %mul3A_418, %add3A_465 : vector<16xi32>
    %gather3A_467 = tpu.vector_load_idx %arg14[%add3A_287, %add3A_466] : memref<32x128xf32, #tpu.memory_space<vmem>>[vector<16xi32>, vector<16xi32>], vector<16xf32>,
    %add3A_468 = arith.constant 6 : i32
    %add3A_469 = vector.broadcast %add3A_468 : i32 to vector<16xi32>
    %add3A_470 = arith.addi %mul3A_421, %add3A_469 : vector<16xi32>
    tpu.vector_store_idx %arg15[%add3A_470], %gather3A_467 : memref<512xf32, #tpu.memory_space<vmem>>[vector<16xi32>], vector<16xf32>,
    %add3A_471 = arith.constant 7 : i32
    %add3A_472 = vector.broadcast %add3A_471 : i32 to vector<16xi32>
    %add3A_473 = arith.addi %mul3A_418, %add3A_472 : vector<16xi32>
    %gather3A_474 = tpu.vector_load_idx %arg14[%add3A_287, %add3A_473] : memref<32x128xf32, #tpu.memory_space<vmem>>[vector<16xi32>, vector<16xi32>], vector<16xf32>,
    %add3A_475 = arith.constant 7 : i32
    %add3A_476 = vector.broadcast %add3A_475 : i32 to vector<16xi32>
    %add3A_477 = arith.addi %mul3A_421, %add3A_476 : vector<16xi32>
    tpu.vector_store_idx %arg15[%add3A_477], %gather3A_474 : memref<512xf32, #tpu.memory_space<vmem>>[vector<16xi32>], vector<16xf32>,
    %add3A_478 = arith.constant 8 : i32
    %add3A_479 = vector.broadcast %add3A_478 : i32 to vector<16xi32>
    %add3A_480 = arith.addi %mul3A_418, %add3A_479 : vector<16xi32>
    %gather3A_481 = tpu.vector_load_idx %arg14[%add3A_287, %add3A_480] : memref<32x128xf32, #tpu.memory_space<vmem>>[vector<16xi32>, vector<16xi32>], vector<16xf32>,
    %add3A_482 = arith.constant 8 : i32
    %add3A_483 = vector.broadcast %add3A_482 : i32 to vector<16xi32>
    %add3A_484 = arith.addi %mul3A_421, %add3A_483 : vector<16xi32>
    tpu.vector_store_idx %arg15[%add3A_484], %gather3A_481 : memref<512xf32, #tpu.memory_space<vmem>>[vector<16xi32>], vector<16xf32>,
    %add3A_485 = arith.constant 9 : i32
    %add3A_486 = vector.broadcast %add3A_485 : i32 to vector<16xi32>
    %add3A_487 = arith.addi %mul3A_418, %add3A_486 : vector<16xi32>
    %gather3A_488 = tpu.vector_load_idx %arg14[%add3A_287, %add3A_487] : memref<32x128xf32, #tpu.memory_space<vmem>>[vector<16xi32>, vector<16xi32>], vector<16xf32>,
    %add3A_489 = arith.constant 9 : i32
    %add3A_490 = vector.broadcast %add3A_489 : i32 to vector<16xi32>
    %add3A_491 = arith.addi %mul3A_421, %add3A_490 : vector<16xi32>
    tpu.vector_store_idx %arg15[%add3A_491], %gather3A_488 : memref<512xf32, #tpu.memory_space<vmem>>[vector<16xi32>], vector<16xf32>,
    %add3A_492 = arith.constant 10 : i32
    %add3A_493 = vector.broadcast %add3A_492 : i32 to vector<16xi32>
    %add3A_494 = arith.addi %mul3A_418, %add3A_493 : vector<16xi32>
    %gather3A_495 = tpu.vector_load_idx %arg14[%add3A_287, %add3A_494] : memref<32x128xf32, #tpu.memory_space<vmem>>[vector<16xi32>, vector<16xi32>], vector<16xf32>,
    %add3A_496 = arith.constant 10 : i32
    %add3A_497 = vector.broadcast %add3A_496 : i32 to vector<16xi32>
    %add3A_498 = arith.addi %mul3A_421, %add3A_497 : vector<16xi32>
    tpu.vector_store_idx %arg15[%add3A_498], %gather3A_495 : memref<512xf32, #tpu.memory_space<vmem>>[vector<16xi32>], vector<16xf32>,
    %add3A_499 = arith.constant 11 : i32
    %add3A_500 = vector.broadcast %add3A_499 : i32 to vector<16xi32>
    %add3A_501 = arith.addi %mul3A_418, %add3A_500 : vector<16xi32>
    %gather3A_502 = tpu.vector_load_idx %arg14[%add3A_287, %add3A_501] : memref<32x128xf32, #tpu.memory_space<vmem>>[vector<16xi32>, vector<16xi32>], vector<16xf32>,
    %add3A_503 = arith.constant 11 : i32
    %add3A_504 = vector.broadcast %add3A_503 : i32 to vector<16xi32>
    %add3A_505 = arith.addi %mul3A_421, %add3A_504 : vector<16xi32>
    tpu.vector_store_idx %arg15[%add3A_505], %gather3A_502 : memref<512xf32, #tpu.memory_space<vmem>>[vector<16xi32>], vector<16xf32>,
    %add3A_506 = arith.constant 12 : i32
    %add3A_507 = vector.broadcast %add3A_506 : i32 to vector<16xi32>
    %add3A_508 = arith.addi %mul3A_418, %add3A_507 : vector<16xi32>
    %gather3A_509 = tpu.vector_load_idx %arg14[%add3A_287, %add3A_508] : memref<32x128xf32, #tpu.memory_space<vmem>>[vector<16xi32>, vector<16xi32>], vector<16xf32>,
    %add3A_510 = arith.constant 12 : i32
    %add3A_511 = vector.broadcast %add3A_510 : i32 to vector<16xi32>
    %add3A_512 = arith.addi %mul3A_421, %add3A_511 : vector<16xi32>
    tpu.vector_store_idx %arg15[%add3A_512], %gather3A_509 : memref<512xf32, #tpu.memory_space<vmem>>[vector<16xi32>], vector<16xf32>,
    %add3A_513 = arith.constant 13 : i32
    %add3A_514 = vector.broadcast %add3A_513 : i32 to vector<16xi32>
    %add3A_515 = arith.addi %mul3A_418, %add3A_514 : vector<16xi32>
    %gather3A_516 = tpu.vector_load_idx %arg14[%add3A_287, %add3A_515] : memref<32x128xf32, #tpu.memory_space<vmem>>[vector<16xi32>, vector<16xi32>], vector<16xf32>,
    %add3A_517 = arith.constant 13 : i32
    %add3A_518 = vector.broadcast %add3A_517 : i32 to vector<16xi32>
    %add3A_519 = arith.addi %mul3A_421, %add3A_518 : vector<16xi32>
    tpu.vector_store_idx %arg15[%add3A_519], %gather3A_516 : memref<512xf32, #tpu.memory_space<vmem>>[vector<16xi32>], vector<16xf32>,
    %add3A_520 = arith.constant 14 : i32
    %add3A_521 = vector.broadcast %add3A_520 : i32 to vector<16xi32>
    %add3A_522 = arith.addi %mul3A_418, %add3A_521 : vector<16xi32>
    %gather3A_523 = tpu.vector_load_idx %arg14[%add3A_287, %add3A_522] : memref<32x128xf32, #tpu.memory_space<vmem>>[vector<16xi32>, vector<16xi32>], vector<16xf32>,
    %add3A_524 = arith.constant 14 : i32
    %add3A_525 = vector.broadcast %add3A_524 : i32 to vector<16xi32>
    %add3A_526 = arith.addi %mul3A_421, %add3A_525 : vector<16xi32>
    tpu.vector_store_idx %arg15[%add3A_526], %gather3A_523 : memref<512xf32, #tpu.memory_space<vmem>>[vector<16xi32>], vector<16xf32>,
    %add3A_527 = arith.constant 15 : i32
    %add3A_528 = vector.broadcast %add3A_527 : i32 to vector<16xi32>
    %add3A_529 = arith.addi %mul3A_418, %add3A_528 : vector<16xi32>
    %gather3A_530 = tpu.vector_load_idx %arg14[%add3A_287, %add3A_529] : memref<32x128xf32, #tpu.memory_space<vmem>>[vector<16xi32>, vector<16xi32>], vector<16xf32>,
    %add3A_531 = arith.constant 15 : i32
    %add3A_532 = vector.broadcast %add3A_531 : i32 to vector<16xi32>
    %add3A_533 = arith.addi %mul3A_421, %add3A_532 : vector<16xi32>
    tpu.vector_store_idx %arg15[%add3A_533], %gather3A_530 : memref<512xf32, #tpu.memory_space<vmem>>[vector<16xi32>], vector<16xf32>,
    %mul3A_534 = arith.constant 16 : i32
    %mul3A_535 = arith.muli %mul3A_2, %mul3A_534 : i32
    "tpu.region"() ({
      %run_scoped3A = tpu.sem_alloc : memref<!tpu.dma_semaphore, #tpu.memory_space<semaphore_mem>>
      %dma_start3A_538 = tpu.memref_slice %arg6[%mul3A_535] : memref<16384xf32, #tpu.memory_space<hbm>> -> memref<512xf32, #tpu.memory_space<hbm>>
      %dma_start3A_539 = tpu.memref_slice %arg6[%mul3A_535] : memref<16384xf32, #tpu.memory_space<hbm>> -> memref<512xf32, #tpu.memory_space<hbm>>
      tpu.enqueue_dma source(%arg11 : memref<512xf32, #tpu.memory_space<vmem>>) target(%dma_start3A_539 : memref<512xf32, #tpu.memory_space<hbm>>) target_semaphore(%run_scoped3A : memref<!tpu.dma_semaphore, #tpu.memory_space<semaphore_mem>>)
      %dma_wait3A_540 = tpu.memref_slice %arg6[%mul3A_535] : memref<16384xf32, #tpu.memory_space<hbm>> -> memref<512xf32, #tpu.memory_space<hbm>>
      %dma_wait3A_541 = tpu.memref_slice %arg6[%mul3A_535] : memref<16384xf32, #tpu.memory_space<hbm>> -> memref<512xf32, #tpu.memory_space<hbm>>
      tpu.wait_dma2 semaphore(%run_scoped3A : memref<!tpu.dma_semaphore, #tpu.memory_space<semaphore_mem>>) src(%arg11 : memref<512xf32, #tpu.memory_space<vmem>>) dst(%dma_wait3A_541 : memref<512xf32, #tpu.memory_space<hbm>>)
      tpu.yield
    }) : () -> ()
    %mul3A_536 = arith.constant 16 : i32
    %mul3A_537 = arith.muli %mul3A_2, %mul3A_536 : i32
    "tpu.region"() ({
      %run_scoped3A = tpu.sem_alloc : memref<!tpu.dma_semaphore, #tpu.memory_space<semaphore_mem>>
      %dma_start3A_538 = tpu.memref_slice %arg7[%mul3A_537] : memref<16384xf32, #tpu.memory_space<hbm>> -> memref<512xf32, #tpu.memory_space<hbm>>
      %dma_start3A_539 = tpu.memref_slice %arg7[%mul3A_537] : memref<16384xf32, #tpu.memory_space<hbm>> -> memref<512xf32, #tpu.memory_space<hbm>>
      tpu.enqueue_dma source(%arg15 : memref<512xf32, #tpu.memory_space<vmem>>) target(%dma_start3A_539 : memref<512xf32, #tpu.memory_space<hbm>>) target_semaphore(%run_scoped3A : memref<!tpu.dma_semaphore, #tpu.memory_space<semaphore_mem>>)
      %dma_wait3A_540 = tpu.memref_slice %arg7[%mul3A_537] : memref<16384xf32, #tpu.memory_space<hbm>> -> memref<512xf32, #tpu.memory_space<hbm>>
      %dma_wait3A_541 = tpu.memref_slice %arg7[%mul3A_537] : memref<16384xf32, #tpu.memory_space<hbm>> -> memref<512xf32, #tpu.memory_space<hbm>>
      tpu.wait_dma2 semaphore(%run_scoped3A : memref<!tpu.dma_semaphore, #tpu.memory_space<semaphore_mem>>) src(%arg15 : memref<512xf32, #tpu.memory_space<vmem>>) dst(%dma_wait3A_541 : memref<512xf32, #tpu.memory_space<hbm>>)
      tpu.yield
    }) : () -> ()
    return
  }
}

module attributes {stable_mosaic.version = 14 : i64} {
  func.func @_tc_body(%arg0: i32, %arg1: memref<1024x16xf32, #tpu.memory_space<vmem>>, %arg2: memref<16x4096xf32, #tpu.memory_space<vmem>>, %arg3: memref<1024x16xf32, #tpu.memory_space<vmem>>, %arg4: memref<1024x1xf32, #tpu.memory_space<vmem>>, %arg5: memref<1024x128xf32, #tpu.memory_space<vmem>>) attributes {dimension_semantics = [#tpu.dimension_semantics<arbitrary>], iteration_bounds = array<i64: 25>, scalar_prefetch = 0 : i64, scratch_operands = 1 : i64, tpu.core_type = #tpu.core_type<tc>, window_params = [{pipeline_mode = #tpu.pipeline_mode<synchronous>, transform_indices = @transform_0, window_bounds = array<i64: 1024, 16>}, {transform_indices = @transform_1, window_bounds = array<i64: 16, 4096>}, {pipeline_mode = #tpu.pipeline_mode<synchronous>, transform_indices = @transform_2, window_bounds = array<i64: 1024, 16>}, {pipeline_mode = #tpu.pipeline_mode<synchronous>, transform_indices = @transform_3, window_bounds = array<i64: 1024, 1>}]} {
    %eq3A = arith.constant 0 : i32
    %eq3A_0 = arith.cmpi eq, %arg0, %eq3A : i32
    %convert_element_type3A = arith.extui %eq3A_0 : i1 to i32
    %cond3A = arith.constant 0 : i32
    %cond3A_1 = arith.cmpi ne, %convert_element_type3A, %cond3A : i32
    scf.if %cond3A_1 {
      %broadcast_in_dim3A_88 = arith.constant 0.000000e+00 : f32
      %broadcast_in_dim3A_89 = vector.broadcast %broadcast_in_dim3A_88 : f32 to vector<1024x128xf32>
      %swap3A_90 = arith.constant 0 : index
      %swap3A_91 = arith.constant 0 : index
      %swap3A_92 = vector.load %arg5[%swap3A_90, %swap3A_91] : memref<1024x128xf32, #tpu.memory_space<vmem>>, vector<1024x128xf32>
      tpu.vector_store %arg5[%swap3A_90, %swap3A_91], %broadcast_in_dim3A_89 {strides = array<i32>} : memref<1024x128xf32, #tpu.memory_space<vmem>>, vector<1024x128xf32>,
    } else {
    }
    %iota3A = tpu.iota {dimensions = array<i32: 1>} : vector<16x4096xi32>
    %mul3A = arith.constant 4096 : i32
    %mul3A_2 = arith.muli %arg0, %mul3A : i32
    %sub3A = arith.constant 100000 : i32
    %sub3A_3 = arith.subi %sub3A, %mul3A_2 : i32
    %lt3A = vector.broadcast %sub3A_3 : i32 to vector<16x4096xi32>
    %lt3A_4 = arith.cmpi slt, %iota3A, %lt3A : vector<16x4096xi32>
    %get3A = arith.constant 0 : index
    %get3A_5 = arith.constant 0 : index
    %get3A_6 = vector.load %arg2[%get3A, %get3A_5] : memref<16x4096xf32, #tpu.memory_space<vmem>>, vector<16x4096xf32>
    %jit3A = arith.constant 0.000000e+00 : f32
    %broadcast_in_dim3A = vector.broadcast %jit3A : f32 to vector<16x4096xf32>
    %select_n3A = arith.select %lt3A_4, %get3A_6, %broadcast_in_dim3A : vector<16x4096xi1>, vector<16x4096xf32>
    %convert_element_type3A_7 = arith.truncf %select_n3A : vector<16x4096xf32> to vector<16x4096xbf16>
    %get3A_8 = arith.constant 0 : index
    %get3A_9 = arith.constant 0 : index
    %get3A_10 = vector.load %arg1[%get3A_8, %get3A_9] : memref<1024x16xf32, #tpu.memory_space<vmem>>, vector<1024x16xf32>
    %mul3A_11 = arith.constant 1.44269502 : f32
    %mul3A_12 = vector.broadcast %mul3A_11 : f32 to vector<1024x16xf32>
    %mul3A_13 = arith.mulf %get3A_10, %mul3A_12 : vector<1024x16xf32>
    %convert_element_type3A_14 = arith.truncf %mul3A_13 : vector<1024x16xf32> to vector<1024x16xbf16>
    %dot_general3A = arith.constant dense<0.000000e+00> : vector<1024x4096xf32>
    %dot_general3A_15 = tpu.matmul %convert_element_type3A_14, %convert_element_type3A_7, %dot_general3A {dimension_numbers = #tpu.dot_dimension_numbers<[1], [0], [0], [1], [0, 0, 1, 1], [], []>, transpose_lhs_hint = false} : vector<1024x16xbf16>, vector<16x4096xbf16>, vector<1024x4096xf32> -> vector<1024x4096xf32>
    %exp23A = math.exp2 %dot_general3A_15 : vector<1024x4096xf32>
    %slice3A = vector.extract_strided_slice %exp23A {offsets = [0, 0], sizes = [1024, 128], strides = [1, 1]} : vector<1024x4096xf32> to vector<1024x128xf32>
    %slice3A_16 = vector.extract_strided_slice %exp23A {offsets = [0, 128], sizes = [1024, 128], strides = [1, 1]} : vector<1024x4096xf32> to vector<1024x128xf32>
    %add3A = arith.addf %slice3A, %slice3A_16 : vector<1024x128xf32>
    %slice3A_17 = vector.extract_strided_slice %exp23A {offsets = [0, 256], sizes = [1024, 128], strides = [1, 1]} : vector<1024x4096xf32> to vector<1024x128xf32>
    %add3A_18 = arith.addf %add3A, %slice3A_17 : vector<1024x128xf32>
    %slice3A_19 = vector.extract_strided_slice %exp23A {offsets = [0, 384], sizes = [1024, 128], strides = [1, 1]} : vector<1024x4096xf32> to vector<1024x128xf32>
    %add3A_20 = arith.addf %add3A_18, %slice3A_19 : vector<1024x128xf32>
    %slice3A_21 = vector.extract_strided_slice %exp23A {offsets = [0, 512], sizes = [1024, 128], strides = [1, 1]} : vector<1024x4096xf32> to vector<1024x128xf32>
    %add3A_22 = arith.addf %add3A_20, %slice3A_21 : vector<1024x128xf32>
    %slice3A_23 = vector.extract_strided_slice %exp23A {offsets = [0, 640], sizes = [1024, 128], strides = [1, 1]} : vector<1024x4096xf32> to vector<1024x128xf32>
    %add3A_24 = arith.addf %add3A_22, %slice3A_23 : vector<1024x128xf32>
    %slice3A_25 = vector.extract_strided_slice %exp23A {offsets = [0, 768], sizes = [1024, 128], strides = [1, 1]} : vector<1024x4096xf32> to vector<1024x128xf32>
    %add3A_26 = arith.addf %add3A_24, %slice3A_25 : vector<1024x128xf32>
    %slice3A_27 = vector.extract_strided_slice %exp23A {offsets = [0, 896], sizes = [1024, 128], strides = [1, 1]} : vector<1024x4096xf32> to vector<1024x128xf32>
    %add3A_28 = arith.addf %add3A_26, %slice3A_27 : vector<1024x128xf32>
    %slice3A_29 = vector.extract_strided_slice %exp23A {offsets = [0, 1024], sizes = [1024, 128], strides = [1, 1]} : vector<1024x4096xf32> to vector<1024x128xf32>
    %add3A_30 = arith.addf %add3A_28, %slice3A_29 : vector<1024x128xf32>
    %slice3A_31 = vector.extract_strided_slice %exp23A {offsets = [0, 1152], sizes = [1024, 128], strides = [1, 1]} : vector<1024x4096xf32> to vector<1024x128xf32>
    %add3A_32 = arith.addf %add3A_30, %slice3A_31 : vector<1024x128xf32>
    %slice3A_33 = vector.extract_strided_slice %exp23A {offsets = [0, 1280], sizes = [1024, 128], strides = [1, 1]} : vector<1024x4096xf32> to vector<1024x128xf32>
    %add3A_34 = arith.addf %add3A_32, %slice3A_33 : vector<1024x128xf32>
    %slice3A_35 = vector.extract_strided_slice %exp23A {offsets = [0, 1408], sizes = [1024, 128], strides = [1, 1]} : vector<1024x4096xf32> to vector<1024x128xf32>
    %add3A_36 = arith.addf %add3A_34, %slice3A_35 : vector<1024x128xf32>
    %slice3A_37 = vector.extract_strided_slice %exp23A {offsets = [0, 1536], sizes = [1024, 128], strides = [1, 1]} : vector<1024x4096xf32> to vector<1024x128xf32>
    %add3A_38 = arith.addf %add3A_36, %slice3A_37 : vector<1024x128xf32>
    %slice3A_39 = vector.extract_strided_slice %exp23A {offsets = [0, 1664], sizes = [1024, 128], strides = [1, 1]} : vector<1024x4096xf32> to vector<1024x128xf32>
    %add3A_40 = arith.addf %add3A_38, %slice3A_39 : vector<1024x128xf32>
    %slice3A_41 = vector.extract_strided_slice %exp23A {offsets = [0, 1792], sizes = [1024, 128], strides = [1, 1]} : vector<1024x4096xf32> to vector<1024x128xf32>
    %add3A_42 = arith.addf %add3A_40, %slice3A_41 : vector<1024x128xf32>
    %slice3A_43 = vector.extract_strided_slice %exp23A {offsets = [0, 1920], sizes = [1024, 128], strides = [1, 1]} : vector<1024x4096xf32> to vector<1024x128xf32>
    %add3A_44 = arith.addf %add3A_42, %slice3A_43 : vector<1024x128xf32>
    %slice3A_45 = vector.extract_strided_slice %exp23A {offsets = [0, 2048], sizes = [1024, 128], strides = [1, 1]} : vector<1024x4096xf32> to vector<1024x128xf32>
    %add3A_46 = arith.addf %add3A_44, %slice3A_45 : vector<1024x128xf32>
    %slice3A_47 = vector.extract_strided_slice %exp23A {offsets = [0, 2176], sizes = [1024, 128], strides = [1, 1]} : vector<1024x4096xf32> to vector<1024x128xf32>
    %add3A_48 = arith.addf %add3A_46, %slice3A_47 : vector<1024x128xf32>
    %slice3A_49 = vector.extract_strided_slice %exp23A {offsets = [0, 2304], sizes = [1024, 128], strides = [1, 1]} : vector<1024x4096xf32> to vector<1024x128xf32>
    %add3A_50 = arith.addf %add3A_48, %slice3A_49 : vector<1024x128xf32>
    %slice3A_51 = vector.extract_strided_slice %exp23A {offsets = [0, 2432], sizes = [1024, 128], strides = [1, 1]} : vector<1024x4096xf32> to vector<1024x128xf32>
    %add3A_52 = arith.addf %add3A_50, %slice3A_51 : vector<1024x128xf32>
    %slice3A_53 = vector.extract_strided_slice %exp23A {offsets = [0, 2560], sizes = [1024, 128], strides = [1, 1]} : vector<1024x4096xf32> to vector<1024x128xf32>
    %add3A_54 = arith.addf %add3A_52, %slice3A_53 : vector<1024x128xf32>
    %slice3A_55 = vector.extract_strided_slice %exp23A {offsets = [0, 2688], sizes = [1024, 128], strides = [1, 1]} : vector<1024x4096xf32> to vector<1024x128xf32>
    %add3A_56 = arith.addf %add3A_54, %slice3A_55 : vector<1024x128xf32>
    %slice3A_57 = vector.extract_strided_slice %exp23A {offsets = [0, 2816], sizes = [1024, 128], strides = [1, 1]} : vector<1024x4096xf32> to vector<1024x128xf32>
    %add3A_58 = arith.addf %add3A_56, %slice3A_57 : vector<1024x128xf32>
    %slice3A_59 = vector.extract_strided_slice %exp23A {offsets = [0, 2944], sizes = [1024, 128], strides = [1, 1]} : vector<1024x4096xf32> to vector<1024x128xf32>
    %add3A_60 = arith.addf %add3A_58, %slice3A_59 : vector<1024x128xf32>
    %slice3A_61 = vector.extract_strided_slice %exp23A {offsets = [0, 3072], sizes = [1024, 128], strides = [1, 1]} : vector<1024x4096xf32> to vector<1024x128xf32>
    %add3A_62 = arith.addf %add3A_60, %slice3A_61 : vector<1024x128xf32>
    %slice3A_63 = vector.extract_strided_slice %exp23A {offsets = [0, 3200], sizes = [1024, 128], strides = [1, 1]} : vector<1024x4096xf32> to vector<1024x128xf32>
    %add3A_64 = arith.addf %add3A_62, %slice3A_63 : vector<1024x128xf32>
    %slice3A_65 = vector.extract_strided_slice %exp23A {offsets = [0, 3328], sizes = [1024, 128], strides = [1, 1]} : vector<1024x4096xf32> to vector<1024x128xf32>
    %add3A_66 = arith.addf %add3A_64, %slice3A_65 : vector<1024x128xf32>
    %slice3A_67 = vector.extract_strided_slice %exp23A {offsets = [0, 3456], sizes = [1024, 128], strides = [1, 1]} : vector<1024x4096xf32> to vector<1024x128xf32>
    %add3A_68 = arith.addf %add3A_66, %slice3A_67 : vector<1024x128xf32>
    %slice3A_69 = vector.extract_strided_slice %exp23A {offsets = [0, 3584], sizes = [1024, 128], strides = [1, 1]} : vector<1024x4096xf32> to vector<1024x128xf32>
    %add3A_70 = arith.addf %add3A_68, %slice3A_69 : vector<1024x128xf32>
    %slice3A_71 = vector.extract_strided_slice %exp23A {offsets = [0, 3712], sizes = [1024, 128], strides = [1, 1]} : vector<1024x4096xf32> to vector<1024x128xf32>
    %add3A_72 = arith.addf %add3A_70, %slice3A_71 : vector<1024x128xf32>
    %slice3A_73 = vector.extract_strided_slice %exp23A {offsets = [0, 3840], sizes = [1024, 128], strides = [1, 1]} : vector<1024x4096xf32> to vector<1024x128xf32>
    %add3A_74 = arith.addf %add3A_72, %slice3A_73 : vector<1024x128xf32>
    %slice3A_75 = vector.extract_strided_slice %exp23A {offsets = [0, 3968], sizes = [1024, 128], strides = [1, 1]} : vector<1024x4096xf32> to vector<1024x128xf32>
    %add3A_76 = arith.addf %add3A_74, %slice3A_75 : vector<1024x128xf32>
    %get3A_77 = arith.constant 0 : index
    %get3A_78 = arith.constant 0 : index
    %get3A_79 = vector.load %arg5[%get3A_77, %get3A_78] : memref<1024x128xf32, #tpu.memory_space<vmem>>, vector<1024x128xf32>
    %add3A_80 = arith.addf %get3A_79, %add3A_76 : vector<1024x128xf32>
    %swap3A = arith.constant 0 : index
    %swap3A_81 = arith.constant 0 : index
    %swap3A_82 = vector.load %arg5[%swap3A, %swap3A_81] : memref<1024x128xf32, #tpu.memory_space<vmem>>, vector<1024x128xf32>
    tpu.vector_store %arg5[%swap3A, %swap3A_81], %add3A_80 {strides = array<i32>} : memref<1024x128xf32, #tpu.memory_space<vmem>>, vector<1024x128xf32>,
    %eq3A_83 = arith.constant 24 : i32
    %eq3A_84 = arith.cmpi eq, %arg0, %eq3A_83 : i32
    %convert_element_type3A_85 = arith.extui %eq3A_84 : i1 to i32
    %cond3A_86 = arith.constant 0 : i32
    %cond3A_87 = arith.cmpi ne, %convert_element_type3A_85, %cond3A_86 : i32
    scf.if %cond3A_87 {
      %get3A_88 = arith.constant 0 : index
      %get3A_89 = arith.constant 0 : index
      %get3A_90 = vector.load %arg1[%get3A_88, %get3A_89] : memref<1024x16xf32, #tpu.memory_space<vmem>>, vector<1024x16xf32>
      %get3A_91 = arith.constant 0 : index
      %get3A_92 = arith.constant 0 : index
      %get3A_93 = vector.load %arg3[%get3A_91, %get3A_92] : memref<1024x16xf32, #tpu.memory_space<vmem>>, vector<1024x16xf32>
      %mul3A_94 = arith.mulf %get3A_90, %get3A_93 : vector<1024x16xf32>
      %reduce_sum3A = arith.constant dense<0.000000e+00> : vector<1024xf32>
      %reduce_sum3A_95 = vector.multi_reduction <add>, %mul3A_94, %reduce_sum3A [1] : vector<1024x16xf32> to vector<1024xf32>
      %broadcast_in_dim3A_96 = vector.shape_cast %reduce_sum3A_95 : vector<1024xf32> to vector<1024x1xf32>
      %get3A_97 = arith.constant 0 : index
      %get3A_98 = arith.constant 0 : index
      %get3A_99 = vector.load %arg5[%get3A_97, %get3A_98] : memref<1024x128xf32, #tpu.memory_space<vmem>>, vector<1024x128xf32>
      %reduce_sum3A_100 = arith.constant dense<0.000000e+00> : vector<1024xf32>
      %reduce_sum3A_101 = vector.multi_reduction <add>, %get3A_99, %reduce_sum3A_100 [1] : vector<1024x128xf32> to vector<1024xf32>
      %broadcast_in_dim3A_102 = vector.shape_cast %reduce_sum3A_101 : vector<1024xf32> to vector<1024x1xf32>
      %sub3A_103 = arith.constant 2.400000e+03 : f32
      %sub3A_104 = vector.broadcast %sub3A_103 : f32 to vector<1024x1xf32>
      %sub3A_105 = arith.subf %broadcast_in_dim3A_102, %sub3A_104 : vector<1024x1xf32>
      %exp3A = math.exp %broadcast_in_dim3A_96 : vector<1024x1xf32>
      %div3A = arith.divf %exp3A, %sub3A_105 : vector<1024x1xf32>
      %swap3A_106 = arith.constant 0 : index
      %swap3A_107 = arith.constant 0 : index
      %swap3A_108 = vector.load %arg4[%swap3A_106, %swap3A_107] : memref<1024x1xf32, #tpu.memory_space<vmem>>, vector<1024x1xf32>
      tpu.vector_store %arg4[%swap3A_106, %swap3A_107], %div3A {strides = array<i32>} : memref<1024x1xf32, #tpu.memory_space<vmem>>, vector<1024x1xf32>,
    } else {
    }
    return
  }
  func.func @transform_0(%arg0: i32) -> (i32, i32) {
    %c0_i32 = arith.constant 0 : i32
    %c0_i32_0 = arith.constant 0 : i32
    %c0_i32_1 = arith.constant 0 : i32
    return %c0_i32, %c0_i32_0 : i32, i32
  }
  func.func @transform_1(%arg0: i32) -> (i32, i32) {
    %c0_i32 = arith.constant 0 : i32
    %c0_i32_0 = arith.constant 0 : i32
    return %c0_i32, %arg0 : i32, i32
  }
  func.func @transform_2(%arg0: i32) -> (i32, i32) {
    %c0_i32 = arith.constant 0 : i32
    %c0_i32_0 = arith.constant 0 : i32
    %c0_i32_1 = arith.constant 0 : i32
    return %c0_i32, %c0_i32_0 : i32, i32
  }
  func.func @transform_3(%arg0: i32) -> (i32, i32) {
    %c0_i32 = arith.constant 0 : i32
    %c0_i32_0 = arith.constant 0 : i32
    %c0_i32_1 = arith.constant 0 : i32
    return %c0_i32, %c0_i32_0 : i32, i32
  }
}

</mosaic_0001>

<sc_bundles>
// kernel: kernel.4.cloned.1.call-start
scs
__scs_entry_jumppad:
0x0: {  	(pc) =	sbr.rel $0x88, $3  }
0x1: {  	(tag) =	ssettag $0x0;
	lr =	simm.s32 $0x1  }
0x2: {  	[smem:$0x3F9D] =	sst lr;
	_ =	strace $0xD0000000  }
0x3: {  	_ = 	snop  }
0x4: {  	_ = 	snop  }
0x5: {  	_ = 	snop  }
0x6: {  	_ = 	snop  }
0x7: {  	_ = 	snop  }
__scs_overlays_trampoline_lowered:
0x8: {  	[smem:$0x3FAC] =	sst s0  }
0x9: {  	[smem:$0x3FAD] =	sst s1  }
0xa: {  	[smem:$0x3FAE] =	sst s2  }
0xb: {  	[smem:$0x3FAF] =	sst s3  }
0xc: {  	[smem:$0x3FB0] =	sst s4  }
0xd: {  	[smem:$0x3FB1] =	sst s5  }
0xe: {  	[smem:$0x3FB2] =	sst s6  }
0xf: {  	[smem:$0x3FB3] =	sst s7  }
0x10: {  	[smem:$0x3FB4] =	sst s8  }
0x11: {  	[smem:$0x3FB5] =	sst s9;
	s0 =	simm.s32 @!p0 $0x0  }
0x12: {  	s1 =	sld [smem:$0x3F9B];
	s0 =	simm.s32 @p0 $0x1  }
0x13: {  	[smem:$0x3FB6] =	sst s0;
	s0 =	simm.s32 @!p1 $0x0  }
0x14: {  	s2 =	sld [smem:$0x3F9A];
	s0 =	simm.s32 @p1 $0x1  }
0x15: {  	[smem:$0x3FB7] =	sst s0;
	s0 =	simm.s32 @!p2 $0x0  }
0x16: {  	s3 =	sld [smem:$0x3FDB];
	s0 =	simm.s32 @p2 $0x1  }
0x17: {  	s4 =	simm.s32 $0x1BF5;
	[smem:$0x3FB9] =	sst s0  }
0x18: {  	s0 =	sld [smem:$0x3F9C];
	_ =	swait.ge [sflag:s4], $0x0  }
0x19: {  	s7 =	sld [smem:$0x3F9D]  }
0x1a: {  	s8 =	sadd.s32 $0xFFFFE003, lr  }
0x1b: {  	s9 =	sadd.s32 $0xFFFFFEF7, lr;
	s5 =	simm.s32 $0xFFFFFFFF;
	p2 =	slt.u32 s8, $0xFFFFF086  }
0x1c: {  	p1 =	slt.u32 s9, $0xF7A;
	s5 =	simm.s32 @!p2 $0x0  }
0x1d: {  	s5 =	simm.s32 @p1 $0x1;
	p0 =	seq.s32 s7, s2  }
0x1e: {  	s7 =	smul.u32 @!p0 $0xF7A, s2;
	p2 =	seq.s32 @!p0 s5, $0x0  }
0x1f: {  	s9 =	smul.u32 $0xF7A, s1;
	s8 =	simm.s32 @!p0 $0x1BF5;
	p2 =	por !p2, p0  }
0x20: {  	[sflag:s8] =	ssyncset.s32 @!p0 $0xFFFFF086;
	s6 =	sadd.s32 @!p0 s3, s7;
	s7 =	simm.s32 @!p0 $0x108  }
0x21: {  	s3 =	sadd.s32 s3, s9;
	s6 =	sadd.s32 @!p0 $0x88, s6;
	s7 =	simm.s32 @p2 $0x1082  }
0x22: {  	[simem:s7], [sflag:s8] =	dma.local @!p0 [hbm:s6], $0xF7A  }
0x23: {  	s9 =	sor.u32 $0xD0000000, s2;
	s6 =	simm.s32 $0x108;
	_ =	swait.ge @!p0 [sflag:s8], $0x0  }
0x24: {  	s3 =	sadd.s32 $0x88, s3;
	s6 =	simm.s32 @!p1 $0x1082;
	[sflag:s4] =	ssyncset.s32 $0xFFFFF086  }
0x25: {  	[simem:s6], [sflag:s4] =	dma.local [hbm:s3], $0xF7A  }
0x26: {  	[smem:$0x3F9D] =	sst s1;
	(tag) =	ssettag s2;
	_ =	strace s9  }
0x27: {  	s1 =	sld [smem:$0x3FAD]  }
0x28: {  	s2 =	sld [smem:$0x3FAE]  }
0x29: {  	s4 =	sld [smem:$0x3FB0]  }
0x2a: {  	p0 =	seq.s32 s5, $0x0;
	s5 =	sld [smem:$0x3FB1]  }
0x2b: {  	s6 =	sld [smem:$0x3FB2]  }
0x2c: {  	s7 =	sld [smem:$0x3FB3]  }
0x2d: {  	s3 =	simm.s32 $0x108;
	s8 =	sld [smem:$0x3FB4]  }
0x2e: {  	s3 =	simm.s32 @!p0 $0x1082;
	s9 =	sld [smem:$0x3FB5]  }
0x2f: {  	lr =	sadd.s32 s0, s3;
	s0 =	sld [smem:$0x3FAC]  }
0x30: {  	s3 =	sld [smem:$0x3FAF]  }
0x31: {  	[smem:$0x3FB8] =	sst s10  }
0x32: {  	s10 =	sld [smem:$0x3FB6];
	_ =	sdelay $0x3  }
0x33: {  	p0 =	seq.s32 s10, $0x1;
	s10 =	sld [smem:$0x3FB8];
	_ =	sdelay $0x3  }
0x34: {  	[smem:$0x3FB8] =	sst s10  }
0x35: {  	s10 =	sld [smem:$0x3FB7];
	_ =	sdelay $0x3  }
0x36: {  	p1 =	seq.s32 s10, $0x1;
	s10 =	sld [smem:$0x3FB8];
	_ =	sdelay $0x3  }
0x37: {  	[smem:$0x3FB8] =	sst s10  }
0x38: {  	s10 =	sld [smem:$0x3FB9]  }
0x39: {  	_ = 	snop;
	(pc) =	sbr.ind lr, $3  }
0x3a: {  	_ = 	snop  }
0x3b: {  	_ = 	snop  }
0x3c: {  	p2 =	seq.s32 s10, $0x1;
	s10 =	sld [smem:$0x3FB8]  }
0x3d: {  	_ =	shalt  }
0x3e: {  	_ =	shalt  }
0x3f: {  	_ =	shalt  }
0x40: {  	_ =	shalt  }
0x41: {  	_ =	shalt  }
0x42: {  	_ =	shalt  }
0x43: {  	_ =	shalt  }
0x44: {  	_ =	shalt  }
0x45: {  	_ =	shalt  }
0x46: {  	_ =	shalt  }
0x47: {  	_ =	shalt  }
0x48: {  	_ =	shalt  }
0x49: {  	_ =	shalt  }
0x4a: {  	_ =	shalt  }
0x4b: {  	_ =	shalt  }
0x4c: {  	_ =	shalt  }
0x4d: {  	_ =	shalt  }
0x4e: {  	_ =	shalt  }
0x4f: {  	_ =	shalt  }
0x50: {  	_ =	shalt  }
0x51: {  	_ =	shalt  }
0x52: {  	_ =	shalt  }
0x53: {  	_ =	shalt  }
0x54: {  	_ =	shalt  }
0x55: {  	_ =	shalt  }
0x56: {  	_ =	shalt  }
0x57: {  	_ =	shalt  }
0x58: {  	_ =	shalt  }
0x59: {  	_ =	shalt  }
0x5a: {  	_ =	shalt  }
0x5b: {  	_ =	shalt  }
0x5c: {  	_ =	shalt  }
0x5d: {  	_ =	shalt  }
0x5e: {  	_ =	shalt  }
0x5f: {  	_ =	shalt  }
0x60: {  	_ =	shalt  }
0x61: {  	_ =	shalt  }
0x62: {  	_ =	shalt  }
0x63: {  	_ =	shalt  }
0x64: {  	_ =	shalt  }
0x65: {  	_ =	shalt  }
0x66: {  	_ =	shalt  }
0x67: {  	_ =	shalt  }
0x68: {  	_ =	shalt  }
0x69: {  	_ =	shalt  }
0x6a: {  	_ =	shalt  }
0x6b: {  	_ =	shalt  }
0x6c: {  	_ =	shalt  }
0x6d: {  	_ =	shalt  }
0x6e: {  	_ =	shalt  }
0x6f: {  	_ =	shalt  }
0x70: {  	_ =	shalt  }
0x71: {  	_ =	shalt  }
0x72: {  	_ =	shalt  }
0x73: {  	_ =	shalt  }
0x74: {  	_ =	shalt  }
0x75: {  	_ =	shalt  }
0x76: {  	_ =	shalt  }
0x77: {  	_ =	shalt  }
0x78: {  	_ =	shalt  }
0x79: {  	_ =	shalt  }
0x7a: {  	_ =	shalt  }
0x7b: {  	_ =	shalt  }
0x7c: {  	_ =	shalt  }
0x7d: {  	_ =	shalt  }
0x7e: {  	_ =	shalt  }
0x7f: {  	_ =	shalt  }
0x80: {  	_ =	shalt  }
0x81: {  	_ =	shalt  }
0x82: {  	_ =	shalt  }
0x83: {  	_ =	shalt  }
0x84: {  	_ =	shalt  }
0x85: {  	_ =	shalt  }
0x86: {  	_ =	shalt  }
0x87: {  	_ =	shalt  }
.Lfunc_end0:
.L_simem_size_0:
called_computation_lowered:
.L_overlay_start_0:
0x88: {  	s2 =	sld [smem:$0x3FD9]  }
0x89: {  	s3 =	sld [smem:$0x3FFE];
	_ =	sdelay $0x1  }
0x8a: {  	s1 =	srdreg.scid  }
0x8b: {  	s0 =	sand.u32 $0x1, s1  }
0x8c: {  	s17 =	sshll.u32 s0, $0xA;
	s2 =	sadd.s32 s3, s2  }
0x8d: {  	s2 =	sadd.s32 s2, s17  }
0x8e: {  	[smem:$0x3FC4] =	sst s2  }
0x8f: {  	_ = 	snop  }
0x90: {  	s2 =	sld [smem:$0x3FC9]  }
0x91: {  	s18 =	sld [smem:$0x3FC8];
	(tm) =	ssettm $0x1  }
0x92: {  	s4 =	sld [smem:$0x3FFB];
	_ =	sdelay $0x3  }
0x93: {  	_ =	strace s4  }
0x94: {  	s4 =	sld [smem:$0x3FFC];
	_ =	sdelay $0x3  }
0x95: {  	_ =	strace s4  }
0x96: {  	s4 =	sld [smem:$0x3FFD];
	_ =	sdelay $0x3  }
0x97: {  	_ =	strace s4  }
0x98: {  	_ =	strace $0x8FFFFFFF  }
0x99: {  	s19 =	sld [smem:$0x3FDB];
	_ =	sdelay $0x1  }
0x9a: {  	s5 =	simm.s32 $_scs_section_size  }
0x9b: {  	s6 =	simm.s32 $_size__tile_overlayer_lowered;
	s7 =	simm.s32 $_tile_overlayer_lowered  }
0x9c: {  	s22 =	simm.s32 $0x1BFF;
	s21 =	sshll.u32 s7, $0x1;
	s4 =	sadd.s32 s5, s19  }
0x9d: {  	s8 =	simm.s32 $0x0;
	s20 =	sshll.u32 s6, $0x1;
	s6 =	sadd.s32 s21, s4  }
0x9e: {  	[timem:s8], [sflag:s22] =	dma.local [hbm:s6], s20  }
0x9f: {  	_ =	swait.ge [sflag:s22], s20  }
0xa0: {  	s5 =	ssub.s32 $0x0, s20;
	[sflag:s22] =	ssyncset.done $0x0  }
0xa1: {  	[sflag:s22] =	ssyncadd.s32 s5;
	_ =	sdelay $0x1  }
0xa2: {  	s23 =	simm.s32 $0x1B8B  }
0xa3: {  	_ =	swait.ge [sflag:s23], $0x1  }
0xa4: {  	[sflag:s23] =	ssyncset.done $0x0  }
0xa5: {  	s25 =	simm.s32 $0x1B8E;
	s24 =	sld [smem:$0x3FFE];
	[sflag:s23] =	ssyncadd.s32 $0xFFFFFFFF  }
0xa6: {  	s26 =	simm.s32 $execute0_lowered;
	[smem:$0x3FD2] =	sst s25  }
0xa7: {  	s6 =	sshll.u32 s26, $0x1;
	_ =	strace $0x80000046;
	[dreg:$0x1] =	wrdreg $0xFFFFFFFF  }
0xa8: {  	s28 =	simm.s32 $_size_execute0_lowered;
	s4 =	sadd.s32 s4, s6;
	[dreg:$0x0] =	wrdreg $0x0  }
0xa9: {  	s6 =	sshll.u32 s28, $0x1;
	[dreg:$0x2] =	wrdreg s4  }
0xaa: {  	[dreg:$0x3] =	wrdreg s6  }
0xab: {  	[dreg:$0x4] =	wrdreg $0xC0  }
0xac: {  	_ =	task [dreg:s8], $0x5FFFF  }
0xad: {  	[dreg:$0x1] =	wrdreg $0xFFFFFFFF  }
0xae: {  	[dreg:$0x0] =	wrdreg $0x60  }
0xaf: {  	[dreg:$0x2] =	wrdreg s24  }
0xb0: {  	[dreg:$0x3] =	wrdreg s2  }
0xb1: {  	[dreg:$0x4] =	wrdreg s18  }
0xb2: {  	[dreg:$0x5] =	wrdreg $0x9  }
0xb3: {  	_ =	task.clear_ibuf [dreg:s8], $0x6FFFF;
	_ =	strace $0x90000046  }
0xb4: {  	s29 =	simm.s32 $0x9;
	_ =	strace $0x80000048  }
0xb5: {  	_ =	swait.ge [sflag:s29], $0x1  }
0xb6: {  	[sflag:s29] =	ssyncadd.s32 $0xFFFFFFFF  }
0xb7: {  	_ =	strace $0x90000048  }
0xb8: {  	_ =	sfence  }
0xb9: {  	s30 =	sld [smem:$0x0];
	_ =	sdelay $0x2  }
0xba: {  	s31 =	sshll.u32 s1, $0xD;
	s1 =	sshrl.u32 s1, $0x2  }
0xbb: {  	s3 =	sand.u32 $0x4000, s31;
	s1 =	sadd.s32 s1, s30  }
0xbc: {  	s0 =	sor.u32 s3, s0;
	s1 =	sshll.u32 s1, $0x11  }
0xbd: {  	s0 =	sor.u32 s1, s0  }
0xbe: {  	s0 =	sadd.s32 $0x8F2B, s0  }
0xbf: {  	[sflag:s0] =	ssyncadd.remote.s32 $0x1  }
0xc0: {  	_ =	sfence.sel $0xFFFF  }
0xc1: {  	[dreg:$0x0] =	wrdreg $0xFFFFFFFF;
	(pc) =	sbr.abs _section_cstart, $3  }
0xc2: {  	[dreg:$0x1] =	wrdreg $0xFFFFFFFF  }
0xc3: {  	_ =	task.clear_ibuf [dreg:s8], $0x2FFFF;
	_ =	strace $0x9FFFFFFF  }
0xc4: {  	(tm) =	ssettm $0x7FFFFFFF  }
0xc5: {  	_ =	shalt  }
tec
execute0_lowered:
.L_overlay_start_1:
0x0: {  	(tag) =	ssettag $0x1  }
0x1: {  	v1 =	vlaneseq.u32  }
0x2: {  	v0 =	vmul.u32 $0x80, v1  }
0x3: {  	v1 =	vmul.u32 $0x10, v1  }
0x4: {  	v2 =	vor.u32 $0x1, v0  }
0x5: {  	[tilespmem:$0x1FE00] =	vst v2;
	v2 =	vor.u32 $0x1, v1  }
0x6: {  	[tilespmem:$0x1FE10] =	vst v2;
	v2 =	vor.u32 $0x2, v0  }
0x7: {  	[tilespmem:$0x1FE20] =	vst v2;
	v2 =	vor.u32 $0x2, v1  }
0x8: {  	[tilespmem:$0x1FE30] =	vst v2;
	v2 =	vor.u32 $0x3, v0  }
0x9: {  	[tilespmem:$0x1FE40] =	vst v2;
	v2 =	vor.u32 $0x3, v1  }
0xa: {  	[tilespmem:$0x1FE50] =	vst v2;
	v2 =	vor.u32 $0x4, v0  }
0xb: {  	[tilespmem:$0x1FE60] =	vst v2;
	v2 =	vor.u32 $0x4, v1  }
0xc: {  	[tilespmem:$0x1FE70] =	vst v2;
	v2 =	vor.u32 $0x5, v0  }
0xd: {  	[tilespmem:$0x1FE80] =	vst v2;
	v2 =	vor.u32 $0x5, v1  }
0xe: {  	[tilespmem:$0x1FE90] =	vst v2;
	v2 =	vor.u32 $0x6, v0  }
0xf: {  	[tilespmem:$0x1FEA0] =	vst v2;
	v2 =	vor.u32 $0x6, v1  }
0x10: {  	[tilespmem:$0x1FEB0] =	vst v2;
	v2 =	vor.u32 $0x7, v0  }
0x11: {  	[tilespmem:$0x1FEC0] =	vst v2;
	v2 =	vor.u32 $0x7, v1  }
0x12: {  	[tilespmem:$0x1FED0] =	vst v2;
	v2 =	vor.u32 $0x8, v0  }
0x13: {  	[tilespmem:$0x1FEE0] =	vst v2;
	v2 =	vor.u32 $0x8, v1  }
0x14: {  	[tilespmem:$0x1FEF0] =	vst v2;
	v2 =	vor.u32 $0x9, v0  }
0x15: {  	[tilespmem:$0x1FF00] =	vst v2;
	v2 =	vor.u32 $0x9, v1  }
0x16: {  	[tilespmem:$0x1FF10] =	vst v2;
	v2 =	vor.u32 $0xA, v0  }
0x17: {  	[tilespmem:$0x1FF20] =	vst v2;
	v2 =	vor.u32 $0xA, v1  }
0x18: {  	s5 =	rddreg [dreg:$0x0];
	v34 =	vor.u32 $0x801, v0;
	v35 =	vor.u32 $0x101, v1;
	[tilespmem:$0x1FF30] =	vst v2;
	v2 =	vor.u32 $0xB, v0  }
0x19: {  	s6 =	rddreg [dreg:$0x1];
	v36 =	vor.u32 $0x802, v0;
	v37 =	vor.u32 $0x102, v1;
	[tilespmem:$0x1FF40] =	vst v2;
	v2 =	vor.u32 $0xB, v1  }
0x1a: {  	s7 =	rddreg [dreg:$0x2];
	v38 =	vor.u32 $0x803, v0;
	v39 =	vor.u32 $0x103, v1;
	[tilespmem:$0x1FF50] =	vst v2;
	v2 =	vor.u32 $0xC, v0  }
0x1b: {  	s0 =	rddreg [dreg:$0x3];
	s1 =	simm.s32 $0x0;
	v40 =	vor.u32 $0x804, v0;
	v41 =	vor.u32 $0x104, v1;
	[tilespmem:$0x1FF60] =	vst v2;
	v2 =	vor.u32 $0xC, v1  }
0x1c: {  	s3 =	srdreg.scid;
	s2 =	stileid.u32;
	s12 =	simm.s32 $0x20;
	v42 =	vor.u32 $0x805, v0;
	v43 =	vor.u32 $0x105, v1;
	[tilespmem:$0x1FF70] =	vst v2;
	v2 =	vor.u32 $0xD, v0  }
0x1d: {  	s13 =	simm.s32 $0x80;
	s14 =	simm.s32 $0x100;
	s15 =	simm.s32 $0x1380;
	v44 =	vor.u32 $0x806, v0;
	v45 =	vor.u32 $0x106, v1;
	[tilespmem:$0x1FF80] =	vst v2;
	v2 =	vor.u32 $0xD, v1  }
0x1e: {  	s16 =	simm.s32 $0x1400;
	s17 =	simm.s32 $0x1;
	s18 =	simm.s32 $0x1100;
	v46 =	vor.u32 $0x807, v0;
	v47 =	vor.u32 $0x107, v1;
	[tilespmem:$0x1FF90] =	vst v2;
	v2 =	vor.u32 $0xE, v0  }
0x1f: {  	s19 =	simm.s32 $0x2400;
	s4 =	sand.u32 $0x1, s3;
	s8 =	sshll.u32 s2, $0x1;
	v48 =	vor.u32 $0x808, v0;
	v49 =	vor.u32 $0x108, v1;
	[tilespmem:$0x1FFA0] =	vst v2;
	v2 =	vor.u32 $0xE, v1  }
0x20: {  	[smem:$0x7FF] =	sst s1;
	s3 =	sadd.s32 $0x187000, s5;
	s8 =	sor.u32 s4, s8;
	v50 =	vor.u32 $0x809, v0;
	v51 =	vor.u32 $0x109, v1;
	[tilespmem:$0x1FFB0] =	vst v2;
	v2 =	vor.u32 $0xF, v0  }
0x21: {  	s9 =	ssub.s32 $0x2, s4;
	s4 =	sadd.s32 $0x1B7E00, s5;
	s10 =	sshll.u32 s8, $0x6;
	v52 =	vor.u32 $0x80A, v0;
	v53 =	vor.u32 $0x10A, v1;
	[tilespmem:$0x1FFC0] =	vst v2;
	v2 =	vor.u32 $0xF, v1  }
0x22: {  	s11 =	sshrl.u32 s9, $0x1;
	s8 =	sshll.u32 s8, $0x2;
	v54 =	vor.u32 $0x80B, v0;
	v55 =	vor.u32 $0x10B, v1;
	s10 =	sadd.s32 s10, s5;
	[tilespmem:$0x1FFD0] =	vst v2;
	v2 =	vor.u32 $0x800, v0  }
0x23: {  	v56 =	vor.u32 $0x80C, v0;
	v57 =	vor.u32 $0x10C, v1;
	s9 =	ssub.s32 s9, s11;
	s5 =	sadd.s32 s6, s8;
	s6 =	sadd.s32 s7, s8;
	[tilespmem:$0x1FFE0] =	vst v2;
	v2 =	vor.u32 $0x100, v1  }
0x24: {  	v58 =	vor.u32 $0x80D, v0;
	v59 =	vor.u32 $0x10D, v1;
	s11 =	simm.s32 $0x1300;
	s7 =	sadd.s32 $0x600, s10;
	s8 =	sadd.s32 $0xE00, s10;
	[tilespmem:$0x1FFF0] =	vst v2  }
0x25: {  	v60 =	vor.u32 $0x80E, v0;
	v61 =	vor.u32 $0x10E, v1;
	v62 =	vor.u32 $0x80F, v0;
	s9 =	smax.u32 s9, $0x1;
	s10 =	simm.s32 $0x2;
	_ =	strace $0x80000047  }
.LBB2_1:
0x26: {  	[tilespmem:s1], [sflag:$0x2] =	stream.linear.gather [hbm4b:s5+s1], $0x20, $0x38;
	[tilespmem:$0x2600] =	vst v63  }
0x27: {  	_ =	swait.ge [sflag:s10], $0x20  }
0x28: {  	[sflag:s10] =	ssyncset.done $0x0  }
0x29: {  	[sflag:s10] =	ssyncadd.s32 $0xFFFFFFE0  }
0x2a: {  	[tilespmem:s11], [sflag:$0x2] =	stream.linear.gather [hbm4b:s6+s1], $0x20, $0x38;
	[tilespmem:$0x2600] =	vst v63  }
0x2b: {  	_ =	swait.ge [sflag:s10], $0x20  }
0x2c: {  	[sflag:s10] =	ssyncset.done $0x0  }
0x2d: {  	[sflag:s10] =	ssyncadd.s32 $0xFFFFFFE0  }
0x2e: {  	v63 =	vld [tilespmem:$0x0]  }
0x2f: {  	v2 =	vld [tilespmem:$0x1300]  }
0x30: {  	v3 =	vld [tilespmem:$0x10]  }
0x31: {  	v4 =	vld [tilespmem:$0x1310];
	_ =	sdelay $0x1  }
0x32: {  	v63 =	vshrl.u32 v63, $0x3  }
0x33: {  	v2 =	vshrl.u32 v2, $0x3;
	[tilespmem:$0x80] =	vst v63  }
0x34: {  	[tilespmem:$0x1380] =	vst v2;
	v2 =	vshrl.u32 v3, $0x3  }
0x35: {  	[tilespmem:$0x90] =	vst v2;
	v2 =	vshrl.u32 v4, $0x3  }
0x36: {  	[tilespmem:$0x1390] =	vst v2  }
0x37: {  	[tilespmem:s14], [sflag:$0x1] =	stream.indirect.gather [hbm4b:s3+s12], $0x80, s13, s12, $0xb8;
	[tilespmem:$0x2600] =	vst v63  }
0x38: {  	_ = 	snop  }
0x39: {  	[tilespmem:s16], [sflag:$0x1] =	stream.indirect.gather [hbm4b:s4+s12], $0x80, s15, s12, $0xb8;
	[tilespmem:$0x2600] =	vst v63  }
0x3a: {  	_ =	swait.ge [sflag:s17], $0x1000  }
0x3b: {  	[sflag:s17] =	ssyncset.done $0x0  }
0x3c: {  	[sflag:s17] =	ssyncadd.s32 $0xFFFFF000  }
0x3d: {  	_ =	swait.ge [sflag:s17], $0x1000  }
0x3e: {  	[sflag:s17] =	ssyncset.done $0x0  }
0x3f: {  	[sflag:s17] =	ssyncadd.s32 $0xFFFFF000  }
0x40: {  	v2 =	vld [tilespmem:$0x0];
	_ =	sdelay $0x4  }
0x41: {  	v2 =	vshll.u32 v2, $0x4  }
0x42: {  	v2 =	vand.u32 $0x70, v2  }
0x43: {  	v3 =	vor.u32 v0, v2  }
0x44: {  	v63 =	vld [tilespmem:$0x1FE00];
	_ =	sdelay $0x3  }
0x45: {  	v3 =	vld.idx.msk [tilespmem:v3+s14+$0x0], $0xffff  }
0x46: {  	v20 =	vor.u32 v63, v2  }
0x47: {  	v6 =	vld [tilespmem:$0x1FE20]  }
0x48: {  	v5 =	vld [tilespmem:$0x1FE10];
	_ =	sdelay $0x1  }
0x49: {  	[tilespmem:v1+s18+$0x0] =	vst.idx.msk $0xffff, v3  }
0x4a: {  	v3 =	vld.idx.msk [tilespmem:v20+s14+$0x0], $0xffff  }
0x4b: {  	v21 =	vor.u32 v6, v2  }
0x4c: {  	v8 =	vld [tilespmem:$0x1FE40]  }
0x4d: {  	v7 =	vld [tilespmem:$0x1FE30];
	_ =	sdelay $0x1  }
0x4e: {  	[tilespmem:v5+s18+$0x0] =	vst.idx.msk $0xffff, v3  }
0x4f: {  	v3 =	vld.idx.msk [tilespmem:v21+s14+$0x0], $0xffff  }
0x50: {  	v22 =	vor.u32 v8, v2  }
0x51: {  	v10 =	vld [tilespmem:$0x1FE60]  }
0x52: {  	v9 =	vld [tilespmem:$0x1FE50];
	_ =	sdelay $0x1  }
0x53: {  	[tilespmem:v7+s18+$0x0] =	vst.idx.msk $0xffff, v3  }
0x54: {  	v3 =	vld.idx.msk [tilespmem:v22+s14+$0x0], $0xffff  }
0x55: {  	v23 =	vor.u32 v10, v2  }
0x56: {  	v12 =	vld [tilespmem:$0x1FE80]  }
0x57: {  	v11 =	vld [tilespmem:$0x1FE70];
	_ =	sdelay $0x1  }
0x58: {  	[tilespmem:v9+s18+$0x0] =	vst.idx.msk $0xffff, v3  }
0x59: {  	v3 =	vld.idx.msk [tilespmem:v23+s14+$0x0], $0xffff  }
0x5a: {  	v24 =	vor.u32 v12, v2  }
0x5b: {  	v14 =	vld [tilespmem:$0x1FEA0]  }
0x5c: {  	v13 =	vld [tilespmem:$0x1FE90];
	_ =	sdelay $0x1  }
0x5d: {  	[tilespmem:v11+s18+$0x0] =	vst.idx.msk $0xffff, v3  }
0x5e: {  	v3 =	vld.idx.msk [tilespmem:v24+s14+$0x0], $0xffff  }
0x5f: {  	v25 =	vor.u32 v14, v2  }
0x60: {  	v16 =	vld [tilespmem:$0x1FEC0]  }
0x61: {  	v15 =	vld [tilespmem:$0x1FEB0];
	_ =	sdelay $0x1  }
0x62: {  	[tilespmem:v13+s18+$0x0] =	vst.idx.msk $0xffff, v3  }
0x63: {  	v3 =	vld.idx.msk [tilespmem:v25+s14+$0x0], $0xffff  }
0x64: {  	v26 =	vor.u32 v16, v2  }
0x65: {  	v18 =	vld [tilespmem:$0x1FEE0]  }
0x66: {  	v17 =	vld [tilespmem:$0x1FED0];
	_ =	sdelay $0x1  }
0x67: {  	[tilespmem:v15+s18+$0x0] =	vst.idx.msk $0xffff, v3  }
0x68: {  	v3 =	vld.idx.msk [tilespmem:v26+s14+$0x0], $0xffff  }
0x69: {  	v27 =	vor.u32 v18, v2  }
0x6a: {  	v20 =	vld [tilespmem:$0x1FF00]  }
0x6b: {  	v19 =	vld [tilespmem:$0x1FEF0];
	_ =	sdelay $0x1  }
0x6c: {  	[tilespmem:v17+s18+$0x0] =	vst.idx.msk $0xffff, v3  }
0x6d: {  	v3 =	vld.idx.msk [tilespmem:v27+s14+$0x0], $0xffff  }
0x6e: {  	v28 =	vor.u32 v20, v2  }
0x6f: {  	v22 =	vld [tilespmem:$0x1FF20]  }
0x70: {  	v21 =	vld [tilespmem:$0x1FF10];
	_ =	sdelay $0x1  }
0x71: {  	[tilespmem:v19+s18+$0x0] =	vst.idx.msk $0xffff, v3  }
0x72: {  	v3 =	vld.idx.msk [tilespmem:v28+s14+$0x0], $0xffff  }
0x73: {  	v29 =	vor.u32 v22, v2  }
0x74: {  	v24 =	vld [tilespmem:$0x1FF40]  }
0x75: {  	v23 =	vld [tilespmem:$0x1FF30];
	_ =	sdelay $0x1  }
0x76: {  	[tilespmem:v21+s18+$0x0] =	vst.idx.msk $0xffff, v3  }
0x77: {  	v3 =	vld.idx.msk [tilespmem:v29+s14+$0x0], $0xffff  }
0x78: {  	v30 =	vor.u32 v24, v2  }
0x79: {  	v26 =	vld [tilespmem:$0x1FF60]  }
0x7a: {  	v25 =	vld [tilespmem:$0x1FF50];
	_ =	sdelay $0x1  }
0x7b: {  	[tilespmem:v23+s18+$0x0] =	vst.idx.msk $0xffff, v3  }
0x7c: {  	v3 =	vld.idx.msk [tilespmem:v30+s14+$0x0], $0xffff  }
0x7d: {  	v31 =	vor.u32 v26, v2  }
0x7e: {  	v28 =	vld [tilespmem:$0x1FF80]  }
0x7f: {  	v27 =	vld [tilespmem:$0x1FF70];
	_ =	sdelay $0x1  }
0x80: {  	[tilespmem:v25+s18+$0x0] =	vst.idx.msk $0xffff, v3  }
0x81: {  	v3 =	vld.idx.msk [tilespmem:v31+s14+$0x0], $0xffff  }
0x82: {  	v32 =	vor.u32 v28, v2  }
0x83: {  	v30 =	vld [tilespmem:$0x1FFA0]  }
0x84: {  	v29 =	vld [tilespmem:$0x1FF90];
	_ =	sdelay $0x1  }
0x85: {  	[tilespmem:v27+s18+$0x0] =	vst.idx.msk $0xffff, v3  }
0x86: {  	v3 =	vld.idx.msk [tilespmem:v32+s14+$0x0], $0xffff  }
0x87: {  	v33 =	vor.u32 v30, v2  }
0x88: {  	v32 =	vld [tilespmem:$0x1FFC0]  }
0x89: {  	v31 =	vld [tilespmem:$0x1FFB0];
	_ =	sdelay $0x1  }
0x8a: {  	[tilespmem:v29+s18+$0x0] =	vst.idx.msk $0xffff, v3  }
0x8b: {  	v3 =	vld.idx.msk [tilespmem:v33+s14+$0x0], $0xffff  }
0x8c: {  	v2 =	vor.u32 v32, v2;
	_ =	sdelay $0x1  }
0x8d: {  	v33 =	vld [tilespmem:$0x1FFD0];
	_ =	sdelay $0x1  }
0x8e: {  	[tilespmem:v31+s18+$0x0] =	vst.idx.msk $0xffff, v3  }
0x8f: {  	v2 =	vld.idx.msk [tilespmem:v2+s14+$0x0], $0xffff;
	_ =	sdelay $0x4  }
0x90: {  	[tilespmem:v33+s18+$0x0] =	vst.idx.msk $0xffff, v2  }
0x91: {  	v2 =	vld [tilespmem:$0x1300];
	_ =	sdelay $0x4  }
0x92: {  	v2 =	vshll.u32 v2, $0x4  }
0x93: {  	v2 =	vand.u32 $0x70, v2  }
0x94: {  	v3 =	vor.u32 v0, v2;
	_ =	sdelay $0x4  }
0x95: {  	v3 =	vld.idx.msk [tilespmem:v3+s16+$0x0], $0xffff  }
0x96: {  	v63 =	vor.u32 v63, v2;
	_ =	sdelay $0x3  }
0x97: {  	[tilespmem:v1+s19+$0x0] =	vst.idx.msk $0xffff, v3  }
0x98: {  	v3 =	vld.idx.msk [tilespmem:v63+s16+$0x0], $0xffff  }
0x99: {  	v63 =	vor.u32 v6, v2;
	_ =	sdelay $0x3  }
0x9a: {  	[tilespmem:v5+s19+$0x0] =	vst.idx.msk $0xffff, v3  }
0x9b: {  	v3 =	vld.idx.msk [tilespmem:v63+s16+$0x0], $0xffff  }
0x9c: {  	v63 =	vor.u32 v8, v2;
	_ =	sdelay $0x3  }
0x9d: {  	[tilespmem:v7+s19+$0x0] =	vst.idx.msk $0xffff, v3  }
0x9e: {  	v3 =	vld.idx.msk [tilespmem:v63+s16+$0x0], $0xffff  }
0x9f: {  	v8 =	vor.u32 v10, v2;
	_ =	sdelay $0x3  }
0xa0: {  	[tilespmem:v9+s19+$0x0] =	vst.idx.msk $0xffff, v3  }
0xa1: {  	v3 =	vld.idx.msk [tilespmem:v8+s16+$0x0], $0xffff  }
0xa2: {  	v10 =	vor.u32 v12, v2;
	_ =	sdelay $0x3  }
0xa3: {  	[tilespmem:v11+s19+$0x0] =	vst.idx.msk $0xffff, v3  }
0xa4: {  	v3 =	vld.idx.msk [tilespmem:v10+s16+$0x0], $0xffff  }
0xa5: {  	v12 =	vor.u32 v14, v2;
	_ =	sdelay $0x3  }
0xa6: {  	[tilespmem:v13+s19+$0x0] =	vst.idx.msk $0xffff, v3  }
0xa7: {  	v3 =	vld.idx.msk [tilespmem:v12+s16+$0x0], $0xffff  }
0xa8: {  	v14 =	vor.u32 v16, v2;
	_ =	sdelay $0x3  }
0xa9: {  	[tilespmem:v15+s19+$0x0] =	vst.idx.msk $0xffff, v3  }
0xaa: {  	v3 =	vld.idx.msk [tilespmem:v14+s16+$0x0], $0xffff  }
0xab: {  	v16 =	vor.u32 v18, v2;
	_ =	sdelay $0x3  }
0xac: {  	[tilespmem:v17+s19+$0x0] =	vst.idx.msk $0xffff, v3  }
0xad: {  	v3 =	vld.idx.msk [tilespmem:v16+s16+$0x0], $0xffff  }
0xae: {  	v18 =	vor.u32 v20, v2;
	_ =	sdelay $0x3  }
0xaf: {  	[tilespmem:v19+s19+$0x0] =	vst.idx.msk $0xffff, v3  }
0xb0: {  	v3 =	vld.idx.msk [tilespmem:v18+s16+$0x0], $0xffff  }
0xb1: {  	v20 =	vor.u32 v22, v2;
	_ =	sdelay $0x3  }
0xb2: {  	[tilespmem:v21+s19+$0x0] =	vst.idx.msk $0xffff, v3  }
0xb3: {  	v3 =	vld.idx.msk [tilespmem:v20+s16+$0x0], $0xffff  }
0xb4: {  	v22 =	vor.u32 v24, v2;
	_ =	sdelay $0x3  }
0xb5: {  	[tilespmem:v23+s19+$0x0] =	vst.idx.msk $0xffff, v3  }
0xb6: {  	v3 =	vld.idx.msk [tilespmem:v22+s16+$0x0], $0xffff  }
0xb7: {  	v24 =	vor.u32 v26, v2;
	_ =	sdelay $0x3  }
0xb8: {  	[tilespmem:v25+s19+$0x0] =	vst.idx.msk $0xffff, v3  }
0xb9: {  	v3 =	vld.idx.msk [tilespmem:v24+s16+$0x0], $0xffff  }
0xba: {  	v26 =	vor.u32 v28, v2;
	_ =	sdelay $0x3  }
0xbb: {  	[tilespmem:v27+s19+$0x0] =	vst.idx.msk $0xffff, v3  }
0xbc: {  	v3 =	vld.idx.msk [tilespmem:v26+s16+$0x0], $0xffff  }
0xbd: {  	v28 =	vor.u32 v30, v2;
	_ =	sdelay $0x3  }
0xbe: {  	[tilespmem:v29+s19+$0x0] =	vst.idx.msk $0xffff, v3  }
0xbf: {  	v3 =	vld.idx.msk [tilespmem:v28+s16+$0x0], $0xffff  }
0xc0: {  	v2 =	vor.u32 v32, v2;
	_ =	sdelay $0x3  }
0xc1: {  	[tilespmem:v31+s19+$0x0] =	vst.idx.msk $0xffff, v3  }
0xc2: {  	v2 =	vld.idx.msk [tilespmem:v2+s16+$0x0], $0xffff;
	_ =	sdelay $0x4  }
0xc3: {  	[tilespmem:v33+s19+$0x0] =	vst.idx.msk $0xffff, v2  }
0xc4: {  	v2 =	vld [tilespmem:$0x10];
	_ =	sdelay $0x1  }
0xc5: {  	v30 =	vld [tilespmem:$0x1FFE0];
	_ =	sdelay $0x2  }
0xc6: {  	v2 =	vshll.u32 v2, $0x4  }
0xc7: {  	v2 =	vand.u32 $0x70, v2  }
0xc8: {  	v3 =	vor.u32 v30, v2;
	_ =	sdelay $0x1  }
0xc9: {  	v32 =	vld [tilespmem:$0x1FFF0];
	_ =	sdelay $0x2  }
0xca: {  	v3 =	vld.idx.msk [tilespmem:v3+s14+$0x0], $0xffff  }
0xcb: {  	v31 =	vor.u32 v34, v2;
	_ =	sdelay $0x3  }
0xcc: {  	[tilespmem:v32+s18+$0x0] =	vst.idx.msk $0xffff, v3  }
0xcd: {  	v3 =	vld.idx.msk [tilespmem:v31+s14+$0x0], $0xffff  }
0xce: {  	v33 =	vor.u32 v36, v2;
	_ =	sdelay $0x3  }
0xcf: {  	[tilespmem:v35+s18+$0x0] =	vst.idx.msk $0xffff, v3  }
0xd0: {  	v3 =	vld.idx.msk [tilespmem:v33+s14+$0x0], $0xffff  }
0xd1: {  	v63 =	vor.u32 v38, v2;
	_ =	sdelay $0x3  }
0xd2: {  	[tilespmem:v37+s18+$0x0] =	vst.idx.msk $0xffff, v3  }
0xd3: {  	v3 =	vld.idx.msk [tilespmem:v63+s14+$0x0], $0xffff  }
0xd4: {  	v8 =	vor.u32 v40, v2;
	_ =	sdelay $0x3  }
0xd5: {  	[tilespmem:v39+s18+$0x0] =	vst.idx.msk $0xffff, v3  }
0xd6: {  	v3 =	vld.idx.msk [tilespmem:v8+s14+$0x0], $0xffff  }
0xd7: {  	v9 =	vor.u32 v42, v2;
	_ =	sdelay $0x3  }
0xd8: {  	[tilespmem:v41+s18+$0x0] =	vst.idx.msk $0xffff, v3  }
0xd9: {  	v3 =	vld.idx.msk [tilespmem:v9+s14+$0x0], $0xffff  }
0xda: {  	v10 =	vor.u32 v44, v2;
	_ =	sdelay $0x3  }
0xdb: {  	[tilespmem:v43+s18+$0x0] =	vst.idx.msk $0xffff, v3  }
0xdc: {  	v3 =	vld.idx.msk [tilespmem:v10+s14+$0x0], $0xffff  }
0xdd: {  	v11 =	vor.u32 v46, v2;
	_ =	sdelay $0x3  }
0xde: {  	[tilespmem:v45+s18+$0x0] =	vst.idx.msk $0xffff, v3  }
0xdf: {  	v3 =	vld.idx.msk [tilespmem:v11+s14+$0x0], $0xffff  }
0xe0: {  	v12 =	vor.u32 v48, v2;
	_ =	sdelay $0x3  }
0xe1: {  	[tilespmem:v47+s18+$0x0] =	vst.idx.msk $0xffff, v3  }
0xe2: {  	v3 =	vld.idx.msk [tilespmem:v12+s14+$0x0], $0xffff  }
0xe3: {  	v13 =	vor.u32 v50, v2;
	_ =	sdelay $0x3  }
0xe4: {  	[tilespmem:v49+s18+$0x0] =	vst.idx.msk $0xffff, v3  }
0xe5: {  	v3 =	vld.idx.msk [tilespmem:v13+s14+$0x0], $0xffff  }
0xe6: {  	v14 =	vor.u32 v52, v2;
	_ =	sdelay $0x3  }
0xe7: {  	[tilespmem:v51+s18+$0x0] =	vst.idx.msk $0xffff, v3  }
0xe8: {  	v3 =	vld.idx.msk [tilespmem:v14+s14+$0x0], $0xffff  }
0xe9: {  	v15 =	vor.u32 v54, v2;
	_ =	sdelay $0x3  }
0xea: {  	[tilespmem:v53+s18+$0x0] =	vst.idx.msk $0xffff, v3  }
0xeb: {  	v3 =	vld.idx.msk [tilespmem:v15+s14+$0x0], $0xffff  }
0xec: {  	v16 =	vor.u32 v56, v2;
	_ =	sdelay $0x3  }
0xed: {  	[tilespmem:v55+s18+$0x0] =	vst.idx.msk $0xffff, v3  }
0xee: {  	v3 =	vld.idx.msk [tilespmem:v16+s14+$0x0], $0xffff  }
0xef: {  	v17 =	vor.u32 v58, v2;
	_ =	sdelay $0x3  }
0xf0: {  	[tilespmem:v57+s18+$0x0] =	vst.idx.msk $0xffff, v3  }
0xf1: {  	v3 =	vld.idx.msk [tilespmem:v17+s14+$0x0], $0xffff  }
0xf2: {  	v18 =	vor.u32 v60, v2;
	_ =	sdelay $0x3  }
0xf3: {  	[tilespmem:v59+s18+$0x0] =	vst.idx.msk $0xffff, v3  }
0xf4: {  	v3 =	vld.idx.msk [tilespmem:v18+s14+$0x0], $0xffff  }
0xf5: {  	v2 =	vor.u32 v62, v2;
	_ =	sdelay $0x3  }
0xf6: {  	[tilespmem:v61+s18+$0x0] =	vst.idx.msk $0xffff, v3  }
0xf7: {  	v3 =	vor.u32 $0x10F, v1;
	v2 =	vld.idx.msk [tilespmem:v2+s14+$0x0], $0xffff;
	_ =	sdelay $0x4  }
0xf8: {  	[tilespmem:v3+s18+$0x0] =	vst.idx.msk $0xffff, v2  }
0xf9: {  	v2 =	vld [tilespmem:$0x1310];
	_ =	sdelay $0x4  }
0xfa: {  	v2 =	vshll.u32 v2, $0x4  }
0xfb: {  	v2 =	vand.u32 $0x70, v2  }
0xfc: {  	v19 =	vor.u32 v30, v2;
	_ =	sdelay $0x4  }
0xfd: {  	v4 =	vld.idx.msk [tilespmem:v19+s16+$0x0], $0xffff  }
0xfe: {  	v20 =	vor.u32 v34, v2;
	_ =	sdelay $0x3  }
0xff: {  	[tilespmem:v32+s19+$0x0] =	vst.idx.msk $0xffff, v4  }
0x100: {  	v4 =	vld.idx.msk [tilespmem:v20+s16+$0x0], $0xffff  }
0x101: {  	v21 =	vor.u32 v36, v2;
	_ =	sdelay $0x3  }
0x102: {  	[tilespmem:v35+s19+$0x0] =	vst.idx.msk $0xffff, v4  }
0x103: {  	v4 =	vld.idx.msk [tilespmem:v21+s16+$0x0], $0xffff  }
0x104: {  	v22 =	vor.u32 v38, v2;
	_ =	sdelay $0x3  }
0x105: {  	[tilespmem:v37+s19+$0x0] =	vst.idx.msk $0xffff, v4  }
0x106: {  	v4 =	vld.idx.msk [tilespmem:v22+s16+$0x0], $0xffff  }
0x107: {  	v23 =	vor.u32 v40, v2;
	_ =	sdelay $0x3  }
0x108: {  	[tilespmem:v39+s19+$0x0] =	vst.idx.msk $0xffff, v4  }
0x109: {  	v4 =	vld.idx.msk [tilespmem:v23+s16+$0x0], $0xffff  }
0x10a: {  	v24 =	vor.u32 v42, v2;
	_ =	sdelay $0x3  }
0x10b: {  	[tilespmem:v41+s19+$0x0] =	vst.idx.msk $0xffff, v4  }
0x10c: {  	v4 =	vld.idx.msk [tilespmem:v24+s16+$0x0], $0xffff  }
0x10d: {  	v25 =	vor.u32 v44, v2;
	_ =	sdelay $0x3  }
0x10e: {  	[tilespmem:v43+s19+$0x0] =	vst.idx.msk $0xffff, v4  }
0x10f: {  	v4 =	vld.idx.msk [tilespmem:v25+s16+$0x0], $0xffff  }
0x110: {  	v26 =	vor.u32 v46, v2;
	_ =	sdelay $0x3  }
0x111: {  	[tilespmem:v45+s19+$0x0] =	vst.idx.msk $0xffff, v4  }
0x112: {  	v4 =	vld.idx.msk [tilespmem:v26+s16+$0x0], $0xffff  }
0x113: {  	v27 =	vor.u32 v48, v2;
	_ =	sdelay $0x3  }
0x114: {  	[tilespmem:v47+s19+$0x0] =	vst.idx.msk $0xffff, v4  }
0x115: {  	v4 =	vld.idx.msk [tilespmem:v27+s16+$0x0], $0xffff  }
0x116: {  	v28 =	vor.u32 v50, v2;
	_ =	sdelay $0x3  }
0x117: {  	[tilespmem:v49+s19+$0x0] =	vst.idx.msk $0xffff, v4  }
0x118: {  	v4 =	vld.idx.msk [tilespmem:v28+s16+$0x0], $0xffff  }
0x119: {  	v29 =	vor.u32 v52, v2;
	_ =	sdelay $0x3  }
0x11a: {  	[tilespmem:v51+s19+$0x0] =	vst.idx.msk $0xffff, v4  }
0x11b: {  	v4 =	vld.idx.msk [tilespmem:v29+s16+$0x0], $0xffff  }
0x11c: {  	v30 =	vor.u32 v54, v2;
	_ =	sdelay $0x3  }
0x11d: {  	[tilespmem:v53+s19+$0x0] =	vst.idx.msk $0xffff, v4  }
0x11e: {  	v4 =	vld.idx.msk [tilespmem:v30+s16+$0x0], $0xffff  }
0x11f: {  	v31 =	vor.u32 v56, v2;
	_ =	sdelay $0x3  }
0x120: {  	[tilespmem:v55+s19+$0x0] =	vst.idx.msk $0xffff, v4  }
0x121: {  	v4 =	vld.idx.msk [tilespmem:v31+s16+$0x0], $0xffff  }
0x122: {  	v32 =	vor.u32 v58, v2;
	_ =	sdelay $0x3  }
0x123: {  	[tilespmem:v57+s19+$0x0] =	vst.idx.msk $0xffff, v4  }
0x124: {  	v4 =	vld.idx.msk [tilespmem:v32+s16+$0x0], $0xffff  }
0x125: {  	v33 =	vor.u32 v60, v2;
	_ =	sdelay $0x3  }
0x126: {  	[tilespmem:v59+s19+$0x0] =	vst.idx.msk $0xffff, v4  }
0x127: {  	v4 =	vld.idx.msk [tilespmem:v33+s16+$0x0], $0xffff  }
0x128: {  	v2 =	vor.u32 v62, v2;
	_ =	sdelay $0x3  }
0x129: {  	[tilespmem:v61+s19+$0x0] =	vst.idx.msk $0xffff, v4  }
0x12a: {  	v2 =	vld.idx.msk [tilespmem:v2+s16+$0x0], $0xffff;
	_ =	sdelay $0x4  }
0x12b: {  	[tilespmem:v3+s19+$0x0] =	vst.idx.msk $0xffff, v2  }
0x12c: {  	[hbm4b:s7+s1] =	stream.linear.scatter [tilespmem:s18], [sflag:$0x2], $0x200, $0x38;
	[tilespmem:$0x2600] =	vst v63  }
0x12d: {  	_ =	swait.ge [sflag:s10], $0x200  }
0x12e: {  	p0 =	sne.s32 s9, $0x1;
	[sflag:s10] =	ssyncset.done $0x0  }
.Ltmp0:
0x12f: {  	[sflag:s10] =	ssyncadd.s32 $0xFFFFFE00;
	(pc) =	sbr.rel @p0 .LBB2_1-.Ltmp0, $4  }
0x130: {  	[hbm4b:s8+s1] =	stream.linear.scatter [tilespmem:s19], [sflag:$0x2], $0x200, $0x38;
	[tilespmem:$0x2600] =	vst v63  }
0x131: {  	_ =	swait.ge [sflag:s10], $0x200  }
0x132: {  	[sflag:s10] =	ssyncset.done $0x0  }
0x133: {  	s9 =	sadd.s32 $0xFFFFFFFF, s9;
	[sflag:s10] =	ssyncadd.s32 $0xFFFFFE00  }
0x134: {  	_ =	sfence.sel $0x180000  }
0x135: {  	[bflag:$0x0] =	sbarrier.arrive $0xFFFF  }
0x136: {  	p0 =	sne.s32 s2, $0x0;
	_ =	strace $0x90000047  }
0x137: {  	s0 =	sadd.s32 @!p0 $0x100000, s0;
	[bflag:$0x2] =	sbarrier.arrive $0xFFFF  }
0x138: {  	[sflag:s0] =	ssyncadd.tile.s32 @!p0 $0x1;
	_ =	shalt  }
.Lfunc_end2:
_tile_overlayer_lowered:
.L_overlay_start_2:
0x139: {  	(tag) =	ssettag $0x2  }
0x13a: {  	s0 =	rddreg [dreg:$0x0];
	s2 =	stileid.u32  }
0x13b: {  	s1 =	rddreg [dreg:$0x1];
	p0 =	sne.s32 s2, $0x0  }
0x13c: {  	s3 =	rddreg [dreg:$0x2];
	[bflag:$0x3] =	sbarrier.arrive $0xFFFF;
	s2 =	simm.s32 @!p0 $0x1C02  }
0x13d: {  	[timem:s3], [sflag:s2] =	dma.local @!p0 [hbm:s0], s1  }
0x13e: {  	s0 =	simm.s32 @!p0 $0x2  }
0x13f: {  	_ =	swait.ge @!p0 [sflag:s0], s1  }
0x140: {  	s1 =	ssub.s32 @!p0 $0x0, s1;
	[sflag:s0] =	ssyncset.done @!p0 $0x0  }
0x141: {  	[sflag:s0] =	ssyncadd.s32 @!p0 s1  }
0x142: {  	[bflag:$0x3] =	sbarrier.arrive $0xFFFF  }
0x143: {  	_ =	shalt  }

</sc_bundles>
